<compile_context>
chip_gen: v7x
topology: tpu7x:2x2x1
jax: 0.10.2.dev20260603
libtpu: 0.0.44.dev20260713+nightly
codegen_flags: <defaults>
</compile_context>

<pallas_src>
import functools

import jax
import jax.numpy as jnp
from jax import lax
from jax.experimental import pallas as pl
from jax.experimental.pallas import tpu as pltpu
from jax.experimental.pallas import tpu_sc as plsc

NUM_CARDS = 1000000
HIDDEN_DIM = 32
BATCH = 4096
HIST = 200

_info = plsc.get_sparse_core_info()
NC, NS, L = _info.num_cores, _info.num_subcores, _info.num_lanes
NW = NC * NS

B = BATCH * HIST
B_PER_W = B // NW
CHUNK = 1600
NCHUNK = B_PER_W // CHUNK
NPAIR = NCHUNK // 2


def _body(cards_hbm, emb_hbm, out_hbm, idx_all, rows0, rows1, sg0, sg1, so0, so1):
    wid = lax.axis_index("s") * NC + lax.axis_index("c")
    base = wid * B_PER_W
    pltpu.sync_copy(cards_hbm.at[pl.ds(base, B_PER_W)], idx_all)

    def add1_chunk(c):
        def add1(i, _):
            sl = pl.ds(c * CHUNK + i * L, L)
            idx_all[sl] = idx_all[sl] + 1
            return 0

        lax.fori_loop(0, CHUNK // L, add1, 0, unroll=4)

    def idx_slice(c):
        return idx_all.at[pl.ds(pl.multiple_of(c * CHUNK, CHUNK), CHUNK)]

    def start_gather(c, rows, sem):
        pltpu.async_copy(emb_hbm.at[idx_slice(c)], rows, sem)

    def wait_gather(c, rows, sem):
        pltpu.make_async_copy(emb_hbm.at[idx_slice(c)], rows, sem).wait()

    def start_write(c, rows, sem):
        b0 = (base + c * CHUNK) // HIST
        for k in range(CHUNK // HIST):
            pltpu.async_copy(
                rows.at[pl.ds(k * HIST, HIST)], out_hbm.at[b0 + k], sem
            )

    def wait_write(c, rows, sem):
        b0 = (base + c * CHUNK) // HIST
        for k in range(CHUNK // HIST):
            pltpu.make_async_copy(
                rows.at[pl.ds(k * HIST, HIST)], out_hbm.at[b0 + k], sem
            ).wait()

    add1_chunk(0)
    start_gather(0, rows0, sg0)
    add1_chunk(1)

    def pair(g, _):
        c0 = 2 * g
        c1 = c0 + 1

        @pl.when(g >= 1)
        def _():
            wait_write(c0 - 1, rows1, so1)

        start_gather(c1, rows1, sg1)

        @pl.when(g < NPAIR - 1)
        def _():
            add1_chunk(c0 + 2)

        wait_gather(c0, rows0, sg0)
        start_write(c0, rows0, so0)

        @pl.when(g < NPAIR - 1)
        def _():
            wait_write(c0, rows0, so0)
            start_gather(c1 + 1, rows0, sg0)
            add1_chunk(c1 + 2)

        wait_gather(c1, rows1, sg1)
        start_write(c1, rows1, so1)
        return 0

    lax.fori_loop(0, NPAIR, pair, 0)

    wait_write(NCHUNK - 2, rows0, so0)
    wait_write(NCHUNK - 1, rows1, so1)


@jax.jit
def _embed(cards_flat, emb):
    mesh = plsc.VectorSubcoreMesh(core_axis_name="c", subcore_axis_name="s")
    fn = pl.kernel(
        _body,
        out_type=jax.ShapeDtypeStruct((BATCH, HIST, HIDDEN_DIM), jnp.float32),
        mesh=mesh,
        scratch_types=[
            pltpu.VMEM((B_PER_W,), jnp.int32),
            pltpu.VMEM((CHUNK, HIDDEN_DIM), jnp.float32),
            pltpu.VMEM((CHUNK, HIDDEN_DIM), jnp.float32),
            pltpu.SemaphoreType.DMA,
            pltpu.SemaphoreType.DMA,
            pltpu.SemaphoreType.DMA,
            pltpu.SemaphoreType.DMA,
        ],
        compiler_params=pltpu.CompilerParams(use_tc_tiling_on_sc=False),
    )
    return fn(cards_flat, emb)


def kernel(cards, emb):
    cards_flat = cards.reshape(-1).astype(jnp.int32)
    return _embed(cards_flat, emb)

# --- scband reference (transcript-rebuilt; emitter-appended) ---
"""Pipeline reference for scband-simple-embedding-40149354283852 (READ-ONLY COPY).

The authoritative reference and input builder live on the scoring server;
editing this copy changes nothing except your own understanding.
"""

import jax, jax.numpy as jnp
import numpy as np

NUM_CARDS = 1000000
HIDDEN_DIM = 32
BATCH = 4096
HIST = 200

def setup_inputs(seed: int = 0) -> dict:
    key = jax.random.key(seed)
    k1, k2 = jax.random.split(key)
    # card ids; module does emb(card + 1), so keep values in [0, NUM_CARDS-2]
    cards = jax.random.randint(k1, (BATCH, HIST), 0, NUM_CARDS - 1, dtype=jnp.int64)
    emb = jax.random.normal(k2, (NUM_CARDS, HIDDEN_DIM), dtype=jnp.float32)
    return {"cards": cards, "emb": emb}

def reference(cards, emb):
    # Faithful to SimpleEmbedding.cards__: embedding lookup of (card + 1),
    # vectorized over the batch of card sequences (the torch loop + cat
    # is equivalent to a batched gather along axis 0 of the table).
    return jnp.take(emb, cards + 1, axis=0)

if __name__ == "__main__":
    import jax
    _d = setup_inputs()
    print(jax.jit(kernel)(*tuple(_d.values())))

</pallas_src>

<mosaic_0001>
#map = affine_map<(d0, d1) -> (0)>
#map1 = affine_map<(d0, d1) -> (0, 0)>
#map2 = affine_map<(d0, d1) -> (0, 0, 0)>
module attributes {stable_mosaic.version = 14 : i64} {
  func.func @_body(%arg0: i32, %arg1: i32, %arg2: memref<819200xi32, #tpu.memory_space<hbm>>, %arg3: memref<1000000x32xf32, #tpu.memory_space<hbm>>, %arg4: memref<4096x200x32xf32, #tpu.memory_space<hbm>>, %arg5: memref<25600xi32, #tpu.memory_space<vmem>>, %arg6: memref<1600x32xf32, #tpu.memory_space<vmem>>, %arg7: memref<1600x32xf32, #tpu.memory_space<vmem>>, %arg8: memref<!tpu.dma_semaphore, #tpu.memory_space<semaphore_mem>>, %arg9: memref<!tpu.dma_semaphore, #tpu.memory_space<semaphore_mem>>, %arg10: memref<!tpu.dma_semaphore, #tpu.memory_space<semaphore_mem>>, %arg11: memref<!tpu.dma_semaphore, #tpu.memory_space<semaphore_mem>>) attributes {dimension_semantics = [#tpu.dimension_semantics<core_parallel>, #tpu.dimension_semantics<subcore_parallel>], iteration_bounds = array<i64: 2, 16>, scalar_prefetch = 0 : i64, scratch_operands = 7 : i64, tpu.core_type = #tpu.core_type<sc_vector_subcore>, window_params = [{transform_indices = #map}, {transform_indices = #map1}, {transform_indices = #map2}]} {
    %mul3A = arith.constant 2 : i32
    %mul3A_0 = arith.muli %arg1, %mul3A : i32
    %add3A = arith.addi %mul3A_0, %arg0 : i32
    %mul3A_1 = arith.constant 25600 : i32
    %mul3A_2 = arith.muli %add3A, %mul3A_1 : i32
    "tpu.region"() ({
      %run_scoped3A = tpu.sem_alloc : memref<!tpu.dma_semaphore, #tpu.memory_space<semaphore_mem>>
      %dma_start3A_326 = tpu.memref_slice %arg2[%mul3A_2] : memref<819200xi32, #tpu.memory_space<hbm>> -> memref<25600xi32, #tpu.memory_space<hbm>>
      %dma_start3A_327 = tpu.memref_slice %arg2[%mul3A_2] : memref<819200xi32, #tpu.memory_space<hbm>> -> memref<25600xi32, #tpu.memory_space<hbm>>
      tpu.enqueue_dma source(%dma_start3A_327 : memref<25600xi32, #tpu.memory_space<hbm>>) target(%arg5 : memref<25600xi32, #tpu.memory_space<vmem>>) target_semaphore(%run_scoped3A : memref<!tpu.dma_semaphore, #tpu.memory_space<semaphore_mem>>)
      %dma_wait3A_328 = tpu.memref_slice %arg2[%mul3A_2] : memref<819200xi32, #tpu.memory_space<hbm>> -> memref<25600xi32, #tpu.memory_space<hbm>>
      %dma_wait3A_329 = tpu.memref_slice %arg2[%mul3A_2] : memref<819200xi32, #tpu.memory_space<hbm>> -> memref<25600xi32, #tpu.memory_space<hbm>>
      tpu.wait_dma2 semaphore(%run_scoped3A : memref<!tpu.dma_semaphore, #tpu.memory_space<semaphore_mem>>) src(%dma_wait3A_329 : memref<25600xi32, #tpu.memory_space<hbm>>) dst(%arg5 : memref<25600xi32, #tpu.memory_space<vmem>>)
      tpu.yield
    }) : () -> ()
    %scan3A = arith.constant 0 : i32
    %scan3A_3 = arith.constant 0 : i32
    %scan3A_4 = arith.constant 100 : i32
    %scan3A_5 = arith.addi %scan3A_3, %scan3A_4 : i32
    %scan3A_6 = arith.constant 4 : i32
    %scan3A_7 = scf.for %scan3A_326 = %scan3A_3 to %scan3A_5 step %scan3A_6 iter_args(%scan3A_327 = %scan3A) -> (i32)  : i32 {
      %mul3A_328 = arith.constant 16 : i32
      %mul3A_329 = arith.muli %scan3A_326, %mul3A_328 : i32
      %add3A_330 = arith.constant 0 : i32
      %add3A_331 = arith.addi %add3A_330, %mul3A_329 : i32
      %get3A = arith.index_cast %add3A_331 : i32 to index
      %get3A_332 = tpu.vector_load %arg5[%get3A] {strides = array<i32>} : memref<25600xi32, #tpu.memory_space<vmem>>, vector<16xi32>,
      %get3A_333 = vector.shape_cast %get3A_332 : vector<16xi32> to vector<16xi32>
      %add3A_334 = arith.constant 1 : i32
      %add3A_335 = vector.broadcast %add3A_334 : i32 to vector<16xi32>
      %add3A_336 = arith.addi %get3A_333, %add3A_335 : vector<16xi32>
      %swap3A = arith.index_cast %add3A_331 : i32 to index
      %swap3A_337 = tpu.vector_load %arg5[%swap3A] {strides = array<i32>} : memref<25600xi32, #tpu.memory_space<vmem>>, vector<16xi32>,
      %swap3A_338 = vector.shape_cast %swap3A_337 : vector<16xi32> to vector<16xi32>
      %swap3A_339 = vector.shape_cast %add3A_336 : vector<16xi32> to vector<16xi32>
      tpu.vector_store %arg5[%swap3A], %swap3A_339 {strides = array<i32>} : memref<25600xi32, #tpu.memory_space<vmem>>, vector<16xi32>,
      %scan3A_340 = arith.constant 0 : i32
      %scan3A_341 = arith.constant 1 : i32
      %scan3A_342 = arith.addi %scan3A_326, %scan3A_341 : i32
      %mul3A_343 = arith.constant 16 : i32
      %mul3A_344 = arith.muli %scan3A_342, %mul3A_343 : i32
      %add3A_345 = arith.constant 0 : i32
      %add3A_346 = arith.addi %add3A_345, %mul3A_344 : i32
      %get3A_347 = arith.index_cast %add3A_346 : i32 to index
      %get3A_348 = tpu.vector_load %arg5[%get3A_347] {strides = array<i32>} : memref<25600xi32, #tpu.memory_space<vmem>>, vector<16xi32>,
      %get3A_349 = vector.shape_cast %get3A_348 : vector<16xi32> to vector<16xi32>
      %add3A_350 = arith.constant 1 : i32
      %add3A_351 = vector.broadcast %add3A_350 : i32 to vector<16xi32>
      %add3A_352 = arith.addi %get3A_349, %add3A_351 : vector<16xi32>
      %swap3A_353 = arith.index_cast %add3A_346 : i32 to index
      %swap3A_354 = tpu.vector_load %arg5[%swap3A_353] {strides = array<i32>} : memref<25600xi32, #tpu.memory_space<vmem>>, vector<16xi32>,
      %swap3A_355 = vector.shape_cast %swap3A_354 : vector<16xi32> to vector<16xi32>
      %swap3A_356 = vector.shape_cast %add3A_352 : vector<16xi32> to vector<16xi32>
      tpu.vector_store %arg5[%swap3A_353], %swap3A_356 {strides = array<i32>} : memref<25600xi32, #tpu.memory_space<vmem>>, vector<16xi32>,
      %scan3A_357 = arith.constant 0 : i32
      %scan3A_358 = arith.constant 2 : i32
      %scan3A_359 = arith.addi %scan3A_326, %scan3A_358 : i32
      %mul3A_360 = arith.constant 16 : i32
      %mul3A_361 = arith.muli %scan3A_359, %mul3A_360 : i32
      %add3A_362 = arith.constant 0 : i32
      %add3A_363 = arith.addi %add3A_362, %mul3A_361 : i32
      %get3A_364 = arith.index_cast %add3A_363 : i32 to index
      %get3A_365 = tpu.vector_load %arg5[%get3A_364] {strides = array<i32>} : memref<25600xi32, #tpu.memory_space<vmem>>, vector<16xi32>,
      %get3A_366 = vector.shape_cast %get3A_365 : vector<16xi32> to vector<16xi32>
      %add3A_367 = arith.constant 1 : i32
      %add3A_368 = vector.broadcast %add3A_367 : i32 to vector<16xi32>
      %add3A_369 = arith.addi %get3A_366, %add3A_368 : vector<16xi32>
      %swap3A_370 = arith.index_cast %add3A_363 : i32 to index
      %swap3A_371 = tpu.vector_load %arg5[%swap3A_370] {strides = array<i32>} : memref<25600xi32, #tpu.memory_space<vmem>>, vector<16xi32>,
      %swap3A_372 = vector.shape_cast %swap3A_371 : vector<16xi32> to vector<16xi32>
      %swap3A_373 = vector.shape_cast %add3A_369 : vector<16xi32> to vector<16xi32>
      tpu.vector_store %arg5[%swap3A_370], %swap3A_373 {strides = array<i32>} : memref<25600xi32, #tpu.memory_space<vmem>>, vector<16xi32>,
      %scan3A_374 = arith.constant 0 : i32
      %scan3A_375 = arith.constant 3 : i32
      %scan3A_376 = arith.addi %scan3A_326, %scan3A_375 : i32
      %mul3A_377 = arith.constant 16 : i32
      %mul3A_378 = arith.muli %scan3A_376, %mul3A_377 : i32
      %add3A_379 = arith.constant 0 : i32
      %add3A_380 = arith.addi %add3A_379, %mul3A_378 : i32
      %get3A_381 = arith.index_cast %add3A_380 : i32 to index
      %get3A_382 = tpu.vector_load %arg5[%get3A_381] {strides = array<i32>} : memref<25600xi32, #tpu.memory_space<vmem>>, vector<16xi32>,
      %get3A_383 = vector.shape_cast %get3A_382 : vector<16xi32> to vector<16xi32>
      %add3A_384 = arith.constant 1 : i32
      %add3A_385 = vector.broadcast %add3A_384 : i32 to vector<16xi32>
      %add3A_386 = arith.addi %get3A_383, %add3A_385 : vector<16xi32>
      %swap3A_387 = arith.index_cast %add3A_380 : i32 to index
      %swap3A_388 = tpu.vector_load %arg5[%swap3A_387] {strides = array<i32>} : memref<25600xi32, #tpu.memory_space<vmem>>, vector<16xi32>,
      %swap3A_389 = vector.shape_cast %swap3A_388 : vector<16xi32> to vector<16xi32>
      %swap3A_390 = vector.shape_cast %add3A_386 : vector<16xi32> to vector<16xi32>
      tpu.vector_store %arg5[%swap3A_387], %swap3A_390 {strides = array<i32>} : memref<25600xi32, #tpu.memory_space<vmem>>, vector<16xi32>,
      %scan3A_391 = arith.constant 0 : i32
      scf.yield %scan3A_391 : i32
    }
    %scan3A_8 = arith.constant 100 : i32
    %multiple_of3A = arith.constant 0 : i32
    %multiple_of3A_9 = tpu.assume_multiple %multiple_of3A, 1600 : i32
    %dma_start3A = tpu.memref_slice %arg5[%multiple_of3A_9] : memref<25600xi32, #tpu.memory_space<vmem>> -> memref<1600xi32, #tpu.memory_space<vmem>>
    %dma_start3A_10 = arith.constant 0 : i32
    %dma_start3A_11 = arith.constant 0 : i32
    %dma_start3A_12 = tpu.memref_slice %arg3[%dma_start3A_10, %dma_start3A_11] : memref<1000000x32xf32, #tpu.memory_space<hbm>> -> memref<1000000x32xf32, #tpu.memory_space<hbm>>
    tpu.enqueue_indirect_dma source(%dma_start3A_12 : memref<1000000x32xf32, #tpu.memory_space<hbm>>) target(%arg6 : memref<1600x32xf32, #tpu.memory_space<vmem>>) offsets(%dma_start3A : memref<1600xi32, #tpu.memory_space<vmem>>) semaphore(%arg8 : memref<!tpu.dma_semaphore, #tpu.memory_space<semaphore_mem>>)
    %scan3A_13 = arith.constant 0 : i32
    %scan3A_14 = arith.constant 0 : i32
    %scan3A_15 = arith.constant 100 : i32
    %scan3A_16 = arith.addi %scan3A_14, %scan3A_15 : i32
    %scan3A_17 = arith.constant 4 : i32
    %scan3A_18 = scf.for %scan3A_326 = %scan3A_14 to %scan3A_16 step %scan3A_17 iter_args(%scan3A_327 = %scan3A_13) -> (i32)  : i32 {
      %mul3A_328 = arith.constant 16 : i32
      %mul3A_329 = arith.muli %scan3A_326, %mul3A_328 : i32
      %add3A_330 = arith.constant 1600 : i32
      %add3A_331 = arith.addi %add3A_330, %mul3A_329 : i32
      %get3A = arith.index_cast %add3A_331 : i32 to index
      %get3A_332 = tpu.vector_load %arg5[%get3A] {strides = array<i32>} : memref<25600xi32, #tpu.memory_space<vmem>>, vector<16xi32>,
      %get3A_333 = vector.shape_cast %get3A_332 : vector<16xi32> to vector<16xi32>
      %add3A_334 = arith.constant 1 : i32
      %add3A_335 = vector.broadcast %add3A_334 : i32 to vector<16xi32>
      %add3A_336 = arith.addi %get3A_333, %add3A_335 : vector<16xi32>
      %swap3A = arith.index_cast %add3A_331 : i32 to index
      %swap3A_337 = tpu.vector_load %arg5[%swap3A] {strides = array<i32>} : memref<25600xi32, #tpu.memory_space<vmem>>, vector<16xi32>,
      %swap3A_338 = vector.shape_cast %swap3A_337 : vector<16xi32> to vector<16xi32>
      %swap3A_339 = vector.shape_cast %add3A_336 : vector<16xi32> to vector<16xi32>
      tpu.vector_store %arg5[%swap3A], %swap3A_339 {strides = array<i32>} : memref<25600xi32, #tpu.memory_space<vmem>>, vector<16xi32>,
      %scan3A_340 = arith.constant 0 : i32
      %scan3A_341 = arith.constant 1 : i32
      %scan3A_342 = arith.addi %scan3A_326, %scan3A_341 : i32
      %mul3A_343 = arith.constant 16 : i32
      %mul3A_344 = arith.muli %scan3A_342, %mul3A_343 : i32
      %add3A_345 = arith.constant 1600 : i32
      %add3A_346 = arith.addi %add3A_345, %mul3A_344 : i32
      %get3A_347 = arith.index_cast %add3A_346 : i32 to index
      %get3A_348 = tpu.vector_load %arg5[%get3A_347] {strides = array<i32>} : memref<25600xi32, #tpu.memory_space<vmem>>, vector<16xi32>,
      %get3A_349 = vector.shape_cast %get3A_348 : vector<16xi32> to vector<16xi32>
      %add3A_350 = arith.constant 1 : i32
      %add3A_351 = vector.broadcast %add3A_350 : i32 to vector<16xi32>
      %add3A_352 = arith.addi %get3A_349, %add3A_351 : vector<16xi32>
      %swap3A_353 = arith.index_cast %add3A_346 : i32 to index
      %swap3A_354 = tpu.vector_load %arg5[%swap3A_353] {strides = array<i32>} : memref<25600xi32, #tpu.memory_space<vmem>>, vector<16xi32>,
      %swap3A_355 = vector.shape_cast %swap3A_354 : vector<16xi32> to vector<16xi32>
      %swap3A_356 = vector.shape_cast %add3A_352 : vector<16xi32> to vector<16xi32>
      tpu.vector_store %arg5[%swap3A_353], %swap3A_356 {strides = array<i32>} : memref<25600xi32, #tpu.memory_space<vmem>>, vector<16xi32>,
      %scan3A_357 = arith.constant 0 : i32
      %scan3A_358 = arith.constant 2 : i32
      %scan3A_359 = arith.addi %scan3A_326, %scan3A_358 : i32
      %mul3A_360 = arith.constant 16 : i32
      %mul3A_361 = arith.muli %scan3A_359, %mul3A_360 : i32
      %add3A_362 = arith.constant 1600 : i32
      %add3A_363 = arith.addi %add3A_362, %mul3A_361 : i32
      %get3A_364 = arith.index_cast %add3A_363 : i32 to index
      %get3A_365 = tpu.vector_load %arg5[%get3A_364] {strides = array<i32>} : memref<25600xi32, #tpu.memory_space<vmem>>, vector<16xi32>,
      %get3A_366 = vector.shape_cast %get3A_365 : vector<16xi32> to vector<16xi32>
      %add3A_367 = arith.constant 1 : i32
      %add3A_368 = vector.broadcast %add3A_367 : i32 to vector<16xi32>
      %add3A_369 = arith.addi %get3A_366, %add3A_368 : vector<16xi32>
      %swap3A_370 = arith.index_cast %add3A_363 : i32 to index
      %swap3A_371 = tpu.vector_load %arg5[%swap3A_370] {strides = array<i32>} : memref<25600xi32, #tpu.memory_space<vmem>>, vector<16xi32>,
      %swap3A_372 = vector.shape_cast %swap3A_371 : vector<16xi32> to vector<16xi32>
      %swap3A_373 = vector.shape_cast %add3A_369 : vector<16xi32> to vector<16xi32>
      tpu.vector_store %arg5[%swap3A_370], %swap3A_373 {strides = array<i32>} : memref<25600xi32, #tpu.memory_space<vmem>>, vector<16xi32>,
      %scan3A_374 = arith.constant 0 : i32
      %scan3A_375 = arith.constant 3 : i32
      %scan3A_376 = arith.addi %scan3A_326, %scan3A_375 : i32
      %mul3A_377 = arith.constant 16 : i32
      %mul3A_378 = arith.muli %scan3A_376, %mul3A_377 : i32
      %add3A_379 = arith.constant 1600 : i32
      %add3A_380 = arith.addi %add3A_379, %mul3A_378 : i32
      %get3A_381 = arith.index_cast %add3A_380 : i32 to index
      %get3A_382 = tpu.vector_load %arg5[%get3A_381] {strides = array<i32>} : memref<25600xi32, #tpu.memory_space<vmem>>, vector<16xi32>,
      %get3A_383 = vector.shape_cast %get3A_382 : vector<16xi32> to vector<16xi32>
      %add3A_384 = arith.constant 1 : i32
      %add3A_385 = vector.broadcast %add3A_384 : i32 to vector<16xi32>
      %add3A_386 = arith.addi %get3A_383, %add3A_385 : vector<16xi32>
      %swap3A_387 = arith.index_cast %add3A_380 : i32 to index
      %swap3A_388 = tpu.vector_load %arg5[%swap3A_387] {strides = array<i32>} : memref<25600xi32, #tpu.memory_space<vmem>>, vector<16xi32>,
      %swap3A_389 = vector.shape_cast %swap3A_388 : vector<16xi32> to vector<16xi32>
      %swap3A_390 = vector.shape_cast %add3A_386 : vector<16xi32> to vector<16xi32>
      tpu.vector_store %arg5[%swap3A_387], %swap3A_390 {strides = array<i32>} : memref<25600xi32, #tpu.memory_space<vmem>>, vector<16xi32>,
      %scan3A_391 = arith.constant 0 : i32
      scf.yield %scan3A_391 : i32
    }
    %scan3A_19 = arith.constant 100 : i32
    %scan3A_20 = arith.constant 0 : i32
    %scan3A_21 = arith.constant 0 : i32
    %scan3A_22 = arith.constant 8 : i32
    %scan3A_23 = arith.addi %scan3A_21, %scan3A_22 : i32
    %scan3A_24 = arith.constant 1 : i32
    %scan3A_25 = scf.for %scan3A_326 = %scan3A_21 to %scan3A_23 step %scan3A_24 iter_args(%scan3A_327 = %scan3A_20) -> (i32)  : i32 {
      %mul3A_328 = arith.constant 2 : i32
      %mul3A_329 = arith.muli %mul3A_328, %scan3A_326 : i32
      %add3A_330 = arith.constant 1 : i32
      %add3A_331 = arith.addi %mul3A_329, %add3A_330 : i32
      %ge3A = arith.constant 1 : i32
      %ge3A_332 = arith.cmpi sge, %scan3A_326, %ge3A : i32
      %convert_element_type3A = arith.extui %ge3A_332 : i1 to i32
      %cond3A = arith.constant 0 : i32
      %cond3A_333 = arith.cmpi ne, %convert_element_type3A, %cond3A : i32
      scf.if %cond3A_333 {
        %sub3A_675 = arith.constant 1 : i32
        %sub3A_676 = arith.subi %mul3A_329, %sub3A_675 : i32
        %mul3A_677 = arith.constant 1600 : i32
        %mul3A_678 = arith.muli %sub3A_676, %mul3A_677 : i32
        %add3A_679 = arith.addi %mul3A_2, %mul3A_678 : i32
        %jit3A_680 = arith.constant 200 : i32
        %div3A_681 = arith.divsi %add3A_679, %jit3A_680 : i32
        %sign3A_682 = arith.constant 0 : i32
        %sign3A_683 = arith.cmpi sgt, %add3A_679, %sign3A_682 : i32
        %sign3A_684 = arith.extui %sign3A_683 : i1 to i32
        %sign3A_685 = arith.constant 0 : i32
        %sign3A_686 = arith.cmpi slt, %add3A_679, %sign3A_685 : i32
        %sign3A_687 = arith.extui %sign3A_686 : i1 to i32
        %sign3A_688 = arith.subi %sign3A_684, %sign3A_687 : i32
        %sign3A_689 = arith.constant 0 : i32
        %sign3A_690 = arith.cmpi sgt, %jit3A_680, %sign3A_689 : i32
        %sign3A_691 = arith.extui %sign3A_690 : i1 to i32
        %sign3A_692 = arith.constant 0 : i32
        %sign3A_693 = arith.cmpi slt, %jit3A_680, %sign3A_692 : i32
        %sign3A_694 = arith.extui %sign3A_693 : i1 to i32
        %sign3A_695 = arith.subi %sign3A_691, %sign3A_694 : i32
        %ne3A_696 = arith.cmpi ne, %sign3A_688, %sign3A_695 : i32
        %rem3A_697 = arith.remsi %add3A_679, %jit3A_680 : i32
        %ne3A_698 = arith.constant 0 : i32
        %ne3A_699 = arith.cmpi ne, %rem3A_697, %ne3A_698 : i32
        %and3A_700 = arith.andi %ne3A_696, %ne3A_699 : i1
        %sub3A_701 = arith.constant 1 : i32
        %sub3A_702 = arith.subi %div3A_681, %sub3A_701 : i32
        %select_n3A_703 = arith.select %and3A_700, %sub3A_702, %div3A_681 : i32
        %add3A_704 = arith.constant 0 : i32
        %add3A_705 = arith.addi %select_n3A_703, %add3A_704 : i32
        %dma_wait3A_706 = arith.constant 0 : i32
        %dma_wait3A_707 = arith.constant 0 : i32
        %dma_wait3A_708 = tpu.memref_slice %arg7[%dma_wait3A_706, %dma_wait3A_707] : memref<1600x32xf32, #tpu.memory_space<vmem>> -> memref<200x32xf32, #tpu.memory_space<vmem>>
        %dma_wait3A_709 = arith.constant 0 : i32
        %dma_wait3A_710 = arith.constant 0 : i32
        %dma_wait3A_711 = tpu.memref_slice %arg4[%add3A_705, %dma_wait3A_709, %dma_wait3A_710] : memref<4096x200x32xf32, #tpu.memory_space<hbm>> -> memref<1x200x32xf32, #tpu.memory_space<hbm>>
        %dma_wait3A_712 = tpu.memref_squeeze %dma_wait3A_711 : memref<1x200x32xf32, #tpu.memory_space<hbm>> -> memref<200x32xf32, #tpu.memory_space<hbm>>
        %dma_wait3A_713 = arith.constant 0 : i32
        %dma_wait3A_714 = arith.constant 0 : i32
        %dma_wait3A_715 = tpu.memref_slice %arg4[%add3A_705, %dma_wait3A_713, %dma_wait3A_714] : memref<4096x200x32xf32, #tpu.memory_space<hbm>> -> memref<1x200x32xf32, #tpu.memory_space<hbm>>
        %dma_wait3A_716 = tpu.memref_squeeze %dma_wait3A_715 : memref<1x200x32xf32, #tpu.memory_space<hbm>> -> memref<200x32xf32, #tpu.memory_space<hbm>>
        %dma_wait3A_717 = arith.constant 0 : i32
        %dma_wait3A_718 = arith.constant 0 : i32
        %dma_wait3A_719 = tpu.memref_slice %arg7[%dma_wait3A_717, %dma_wait3A_718] : memref<1600x32xf32, #tpu.memory_space<vmem>> -> memref<200x32xf32, #tpu.memory_space<vmem>>
        tpu.wait_dma2 semaphore(%arg11 : memref<!tpu.dma_semaphore, #tpu.memory_space<semaphore_mem>>) src(%dma_wait3A_719 : memref<200x32xf32, #tpu.memory_space<vmem>>) dst(%dma_wait3A_716 : memref<200x32xf32, #tpu.memory_space<hbm>>)
        %add3A_720 = arith.constant 1 : i32
        %add3A_721 = arith.addi %select_n3A_703, %add3A_720 : i32
        %dma_wait3A_722 = arith.constant 200 : i32
        %dma_wait3A_723 = arith.constant 0 : i32
        %dma_wait3A_724 = tpu.memref_slice %arg7[%dma_wait3A_722, %dma_wait3A_723] : memref<1600x32xf32, #tpu.memory_space<vmem>> -> memref<200x32xf32, #tpu.memory_space<vmem>>
        %dma_wait3A_725 = arith.constant 0 : i32
        %dma_wait3A_726 = arith.constant 0 : i32
        %dma_wait3A_727 = tpu.memref_slice %arg4[%add3A_721, %dma_wait3A_725, %dma_wait3A_726] : memref<4096x200x32xf32, #tpu.memory_space<hbm>> -> memref<1x200x32xf32, #tpu.memory_space<hbm>>
        %dma_wait3A_728 = tpu.memref_squeeze %dma_wait3A_727 : memref<1x200x32xf32, #tpu.memory_space<hbm>> -> memref<200x32xf32, #tpu.memory_space<hbm>>
        %dma_wait3A_729 = arith.constant 0 : i32
        %dma_wait3A_730 = arith.constant 0 : i32
        %dma_wait3A_731 = tpu.memref_slice %arg4[%add3A_721, %dma_wait3A_729, %dma_wait3A_730] : memref<4096x200x32xf32, #tpu.memory_space<hbm>> -> memref<1x200x32xf32, #tpu.memory_space<hbm>>
        %dma_wait3A_732 = tpu.memref_squeeze %dma_wait3A_731 : memref<1x200x32xf32, #tpu.memory_space<hbm>> -> memref<200x32xf32, #tpu.memory_space<hbm>>
        %dma_wait3A_733 = arith.constant 200 : i32
        %dma_wait3A_734 = arith.constant 0 : i32
        %dma_wait3A_735 = tpu.memref_slice %arg7[%dma_wait3A_733, %dma_wait3A_734] : memref<1600x32xf32, #tpu.memory_space<vmem>> -> memref<200x32xf32, #tpu.memory_space<vmem>>
        tpu.wait_dma2 semaphore(%arg11 : memref<!tpu.dma_semaphore, #tpu.memory_space<semaphore_mem>>) src(%dma_wait3A_735 : memref<200x32xf32, #tpu.memory_space<vmem>>) dst(%dma_wait3A_732 : memref<200x32xf32, #tpu.memory_space<hbm>>)
        %add3A_736 = arith.constant 2 : i32
        %add3A_737 = arith.addi %select_n3A_703, %add3A_736 : i32
        %dma_wait3A_738 = arith.constant 400 : i32
        %dma_wait3A_739 = arith.constant 0 : i32
        %dma_wait3A_740 = tpu.memref_slice %arg7[%dma_wait3A_738, %dma_wait3A_739] : memref<1600x32xf32, #tpu.memory_space<vmem>> -> memref<200x32xf32, #tpu.memory_space<vmem>>
        %dma_wait3A_741 = arith.constant 0 : i32
        %dma_wait3A_742 = arith.constant 0 : i32
        %dma_wait3A_743 = tpu.memref_slice %arg4[%add3A_737, %dma_wait3A_741, %dma_wait3A_742] : memref<4096x200x32xf32, #tpu.memory_space<hbm>> -> memref<1x200x32xf32, #tpu.memory_space<hbm>>
        %dma_wait3A_744 = tpu.memref_squeeze %dma_wait3A_743 : memref<1x200x32xf32, #tpu.memory_space<hbm>> -> memref<200x32xf32, #tpu.memory_space<hbm>>
        %dma_wait3A_745 = arith.constant 0 : i32
        %dma_wait3A_746 = arith.constant 0 : i32
        %dma_wait3A_747 = tpu.memref_slice %arg4[%add3A_737, %dma_wait3A_745, %dma_wait3A_746] : memref<4096x200x32xf32, #tpu.memory_space<hbm>> -> memref<1x200x32xf32, #tpu.memory_space<hbm>>
        %dma_wait3A_748 = tpu.memref_squeeze %dma_wait3A_747 : memref<1x200x32xf32, #tpu.memory_space<hbm>> -> memref<200x32xf32, #tpu.memory_space<hbm>>
        %dma_wait3A_749 = arith.constant 400 : i32
        %dma_wait3A_750 = arith.constant 0 : i32
        %dma_wait3A_751 = tpu.memref_slice %arg7[%dma_wait3A_749, %dma_wait3A_750] : memref<1600x32xf32, #tpu.memory_space<vmem>> -> memref<200x32xf32, #tpu.memory_space<vmem>>
        tpu.wait_dma2 semaphore(%arg11 : memref<!tpu.dma_semaphore, #tpu.memory_space<semaphore_mem>>) src(%dma_wait3A_751 : memref<200x32xf32, #tpu.memory_space<vmem>>) dst(%dma_wait3A_748 : memref<200x32xf32, #tpu.memory_space<hbm>>)
        %add3A_752 = arith.constant 3 : i32
        %add3A_753 = arith.addi %select_n3A_703, %add3A_752 : i32
        %dma_wait3A_754 = arith.constant 600 : i32
        %dma_wait3A_755 = arith.constant 0 : i32
        %dma_wait3A_756 = tpu.memref_slice %arg7[%dma_wait3A_754, %dma_wait3A_755] : memref<1600x32xf32, #tpu.memory_space<vmem>> -> memref<200x32xf32, #tpu.memory_space<vmem>>
        %dma_wait3A_757 = arith.constant 0 : i32
        %dma_wait3A_758 = arith.constant 0 : i32
        %dma_wait3A_759 = tpu.memref_slice %arg4[%add3A_753, %dma_wait3A_757, %dma_wait3A_758] : memref<4096x200x32xf32, #tpu.memory_space<hbm>> -> memref<1x200x32xf32, #tpu.memory_space<hbm>>
        %dma_wait3A_760 = tpu.memref_squeeze %dma_wait3A_759 : memref<1x200x32xf32, #tpu.memory_space<hbm>> -> memref<200x32xf32, #tpu.memory_space<hbm>>
        %dma_wait3A_761 = arith.constant 0 : i32
        %dma_wait3A_762 = arith.constant 0 : i32
        %dma_wait3A_763 = tpu.memref_slice %arg4[%add3A_753, %dma_wait3A_761, %dma_wait3A_762] : memref<4096x200x32xf32, #tpu.memory_space<hbm>> -> memref<1x200x32xf32, #tpu.memory_space<hbm>>
        %dma_wait3A_764 = tpu.memref_squeeze %dma_wait3A_763 : memref<1x200x32xf32, #tpu.memory_space<hbm>> -> memref<200x32xf32, #tpu.memory_space<hbm>>
        %dma_wait3A_765 = arith.constant 600 : i32
        %dma_wait3A_766 = arith.constant 0 : i32
        %dma_wait3A_767 = tpu.memref_slice %arg7[%dma_wait3A_765, %dma_wait3A_766] : memref<1600x32xf32, #tpu.memory_space<vmem>> -> memref<200x32xf32, #tpu.memory_space<vmem>>
        tpu.wait_dma2 semaphore(%arg11 : memref<!tpu.dma_semaphore, #tpu.memory_space<semaphore_mem>>) src(%dma_wait3A_767 : memref<200x32xf32, #tpu.memory_space<vmem>>) dst(%dma_wait3A_764 : memref<200x32xf32, #tpu.memory_space<hbm>>)
        %add3A_768 = arith.constant 4 : i32
        %add3A_769 = arith.addi %select_n3A_703, %add3A_768 : i32
        %dma_wait3A_770 = arith.constant 800 : i32
        %dma_wait3A_771 = arith.constant 0 : i32
        %dma_wait3A_772 = tpu.memref_slice %arg7[%dma_wait3A_770, %dma_wait3A_771] : memref<1600x32xf32, #tpu.memory_space<vmem>> -> memref<200x32xf32, #tpu.memory_space<vmem>>
        %dma_wait3A_773 = arith.constant 0 : i32
        %dma_wait3A_774 = arith.constant 0 : i32
        %dma_wait3A_775 = tpu.memref_slice %arg4[%add3A_769, %dma_wait3A_773, %dma_wait3A_774] : memref<4096x200x32xf32, #tpu.memory_space<hbm>> -> memref<1x200x32xf32, #tpu.memory_space<hbm>>
        %dma_wait3A_776 = tpu.memref_squeeze %dma_wait3A_775 : memref<1x200x32xf32, #tpu.memory_space<hbm>> -> memref<200x32xf32, #tpu.memory_space<hbm>>
        %dma_wait3A_777 = arith.constant 0 : i32
        %dma_wait3A_778 = arith.constant 0 : i32
        %dma_wait3A_779 = tpu.memref_slice %arg4[%add3A_769, %dma_wait3A_777, %dma_wait3A_778] : memref<4096x200x32xf32, #tpu.memory_space<hbm>> -> memref<1x200x32xf32, #tpu.memory_space<hbm>>
        %dma_wait3A_780 = tpu.memref_squeeze %dma_wait3A_779 : memref<1x200x32xf32, #tpu.memory_space<hbm>> -> memref<200x32xf32, #tpu.memory_space<hbm>>
        %dma_wait3A_781 = arith.constant 800 : i32
        %dma_wait3A_782 = arith.constant 0 : i32
        %dma_wait3A_783 = tpu.memref_slice %arg7[%dma_wait3A_781, %dma_wait3A_782] : memref<1600x32xf32, #tpu.memory_space<vmem>> -> memref<200x32xf32, #tpu.memory_space<vmem>>
        tpu.wait_dma2 semaphore(%arg11 : memref<!tpu.dma_semaphore, #tpu.memory_space<semaphore_mem>>) src(%dma_wait3A_783 : memref<200x32xf32, #tpu.memory_space<vmem>>) dst(%dma_wait3A_780 : memref<200x32xf32, #tpu.memory_space<hbm>>)
        %add3A_784 = arith.constant 5 : i32
        %add3A_785 = arith.addi %select_n3A_703, %add3A_784 : i32
        %dma_wait3A_786 = arith.constant 1000 : i32
        %dma_wait3A_787 = arith.constant 0 : i32
        %dma_wait3A_788 = tpu.memref_slice %arg7[%dma_wait3A_786, %dma_wait3A_787] : memref<1600x32xf32, #tpu.memory_space<vmem>> -> memref<200x32xf32, #tpu.memory_space<vmem>>
        %dma_wait3A_789 = arith.constant 0 : i32
        %dma_wait3A_790 = arith.constant 0 : i32
        %dma_wait3A_791 = tpu.memref_slice %arg4[%add3A_785, %dma_wait3A_789, %dma_wait3A_790] : memref<4096x200x32xf32, #tpu.memory_space<hbm>> -> memref<1x200x32xf32, #tpu.memory_space<hbm>>
        %dma_wait3A_792 = tpu.memref_squeeze %dma_wait3A_791 : memref<1x200x32xf32, #tpu.memory_space<hbm>> -> memref<200x32xf32, #tpu.memory_space<hbm>>
        %dma_wait3A_793 = arith.constant 0 : i32
        %dma_wait3A_794 = arith.constant 0 : i32
        %dma_wait3A_795 = tpu.memref_slice %arg4[%add3A_785, %dma_wait3A_793, %dma_wait3A_794] : memref<4096x200x32xf32, #tpu.memory_space<hbm>> -> memref<1x200x32xf32, #tpu.memory_space<hbm>>
        %dma_wait3A_796 = tpu.memref_squeeze %dma_wait3A_795 : memref<1x200x32xf32, #tpu.memory_space<hbm>> -> memref<200x32xf32, #tpu.memory_space<hbm>>
        %dma_wait3A_797 = arith.constant 1000 : i32
        %dma_wait3A_798 = arith.constant 0 : i32
        %dma_wait3A_799 = tpu.memref_slice %arg7[%dma_wait3A_797, %dma_wait3A_798] : memref<1600x32xf32, #tpu.memory_space<vmem>> -> memref<200x32xf32, #tpu.memory_space<vmem>>
        tpu.wait_dma2 semaphore(%arg11 : memref<!tpu.dma_semaphore, #tpu.memory_space<semaphore_mem>>) src(%dma_wait3A_799 : memref<200x32xf32, #tpu.memory_space<vmem>>) dst(%dma_wait3A_796 : memref<200x32xf32, #tpu.memory_space<hbm>>)
        %add3A_800 = arith.constant 6 : i32
        %add3A_801 = arith.addi %select_n3A_703, %add3A_800 : i32
        %dma_wait3A_802 = arith.constant 1200 : i32
        %dma_wait3A_803 = arith.constant 0 : i32
        %dma_wait3A_804 = tpu.memref_slice %arg7[%dma_wait3A_802, %dma_wait3A_803] : memref<1600x32xf32, #tpu.memory_space<vmem>> -> memref<200x32xf32, #tpu.memory_space<vmem>>
        %dma_wait3A_805 = arith.constant 0 : i32
        %dma_wait3A_806 = arith.constant 0 : i32
        %dma_wait3A_807 = tpu.memref_slice %arg4[%add3A_801, %dma_wait3A_805, %dma_wait3A_806] : memref<4096x200x32xf32, #tpu.memory_space<hbm>> -> memref<1x200x32xf32, #tpu.memory_space<hbm>>
        %dma_wait3A_808 = tpu.memref_squeeze %dma_wait3A_807 : memref<1x200x32xf32, #tpu.memory_space<hbm>> -> memref<200x32xf32, #tpu.memory_space<hbm>>
        %dma_wait3A_809 = arith.constant 0 : i32
        %dma_wait3A_810 = arith.constant 0 : i32
        %dma_wait3A_811 = tpu.memref_slice %arg4[%add3A_801, %dma_wait3A_809, %dma_wait3A_810] : memref<4096x200x32xf32, #tpu.memory_space<hbm>> -> memref<1x200x32xf32, #tpu.memory_space<hbm>>
        %dma_wait3A_812 = tpu.memref_squeeze %dma_wait3A_811 : memref<1x200x32xf32, #tpu.memory_space<hbm>> -> memref<200x32xf32, #tpu.memory_space<hbm>>
        %dma_wait3A_813 = arith.constant 1200 : i32
        %dma_wait3A_814 = arith.constant 0 : i32
        %dma_wait3A_815 = tpu.memref_slice %arg7[%dma_wait3A_813, %dma_wait3A_814] : memref<1600x32xf32, #tpu.memory_space<vmem>> -> memref<200x32xf32, #tpu.memory_space<vmem>>
        tpu.wait_dma2 semaphore(%arg11 : memref<!tpu.dma_semaphore, #tpu.memory_space<semaphore_mem>>) src(%dma_wait3A_815 : memref<200x32xf32, #tpu.memory_space<vmem>>) dst(%dma_wait3A_812 : memref<200x32xf32, #tpu.memory_space<hbm>>)
        %add3A_816 = arith.constant 7 : i32
        %add3A_817 = arith.addi %select_n3A_703, %add3A_816 : i32
        %dma_wait3A_818 = arith.constant 1400 : i32
        %dma_wait3A_819 = arith.constant 0 : i32
        %dma_wait3A_820 = tpu.memref_slice %arg7[%dma_wait3A_818, %dma_wait3A_819] : memref<1600x32xf32, #tpu.memory_space<vmem>> -> memref<200x32xf32, #tpu.memory_space<vmem>>
        %dma_wait3A_821 = arith.constant 0 : i32
        %dma_wait3A_822 = arith.constant 0 : i32
        %dma_wait3A_823 = tpu.memref_slice %arg4[%add3A_817, %dma_wait3A_821, %dma_wait3A_822] : memref<4096x200x32xf32, #tpu.memory_space<hbm>> -> memref<1x200x32xf32, #tpu.memory_space<hbm>>
        %dma_wait3A_824 = tpu.memref_squeeze %dma_wait3A_823 : memref<1x200x32xf32, #tpu.memory_space<hbm>> -> memref<200x32xf32, #tpu.memory_space<hbm>>
        %dma_wait3A_825 = arith.constant 0 : i32
        %dma_wait3A_826 = arith.constant 0 : i32
        %dma_wait3A_827 = tpu.memref_slice %arg4[%add3A_817, %dma_wait3A_825, %dma_wait3A_826] : memref<4096x200x32xf32, #tpu.memory_space<hbm>> -> memref<1x200x32xf32, #tpu.memory_space<hbm>>
        %dma_wait3A_828 = tpu.memref_squeeze %dma_wait3A_827 : memref<1x200x32xf32, #tpu.memory_space<hbm>> -> memref<200x32xf32, #tpu.memory_space<hbm>>
        %dma_wait3A_829 = arith.constant 1400 : i32
        %dma_wait3A_830 = arith.constant 0 : i32
        %dma_wait3A_831 = tpu.memref_slice %arg7[%dma_wait3A_829, %dma_wait3A_830] : memref<1600x32xf32, #tpu.memory_space<vmem>> -> memref<200x32xf32, #tpu.memory_space<vmem>>
        tpu.wait_dma2 semaphore(%arg11 : memref<!tpu.dma_semaphore, #tpu.memory_space<semaphore_mem>>) src(%dma_wait3A_831 : memref<200x32xf32, #tpu.memory_space<vmem>>) dst(%dma_wait3A_828 : memref<200x32xf32, #tpu.memory_space<hbm>>)
      } else {
      }
      %mul3A_334 = arith.constant 1600 : i32
      %mul3A_335 = arith.muli %add3A_331, %mul3A_334 : i32
      %multiple_of3A_336 = tpu.assume_multiple %mul3A_335, 1600 : i32
      %dma_start3A_337 = tpu.memref_slice %arg5[%multiple_of3A_336] : memref<25600xi32, #tpu.memory_space<vmem>> -> memref<1600xi32, #tpu.memory_space<vmem>>
      %dma_start3A_338 = arith.constant 0 : i32
      %dma_start3A_339 = arith.constant 0 : i32
      %dma_start3A_340 = tpu.memref_slice %arg3[%dma_start3A_338, %dma_start3A_339] : memref<1000000x32xf32, #tpu.memory_space<hbm>> -> memref<1000000x32xf32, #tpu.memory_space<hbm>>
      tpu.enqueue_indirect_dma source(%dma_start3A_340 : memref<1000000x32xf32, #tpu.memory_space<hbm>>) target(%arg7 : memref<1600x32xf32, #tpu.memory_space<vmem>>) offsets(%dma_start3A_337 : memref<1600xi32, #tpu.memory_space<vmem>>) semaphore(%arg9 : memref<!tpu.dma_semaphore, #tpu.memory_space<semaphore_mem>>)
      %lt3A = arith.constant 7 : i32
      %lt3A_341 = arith.cmpi slt, %scan3A_326, %lt3A : i32
      %convert_element_type3A_342 = arith.extui %lt3A_341 : i1 to i32
      %cond3A_343 = arith.constant 0 : i32
      %cond3A_344 = arith.cmpi ne, %convert_element_type3A_342, %cond3A_343 : i32
      scf.if %cond3A_344 {
        %add3A_675 = arith.constant 2 : i32
        %add3A_676 = arith.addi %mul3A_329, %add3A_675 : i32
        %scan3A_677 = arith.constant 0 : i32
        %scan3A_678 = arith.constant 0 : i32
        %scan3A_679 = arith.constant 100 : i32
        %scan3A_680 = arith.addi %scan3A_678, %scan3A_679 : i32
        %scan3A_681 = arith.constant 4 : i32
        %scan3A_682 = scf.for %scan3A_684 = %scan3A_678 to %scan3A_680 step %scan3A_681 iter_args(%scan3A_685 = %scan3A_677) -> (i32)  : i32 {
          %mul3A_686 = arith.constant 1600 : i32
          %mul3A_687 = arith.muli %add3A_676, %mul3A_686 : i32
          %mul3A_688 = arith.constant 16 : i32
          %mul3A_689 = arith.muli %scan3A_684, %mul3A_688 : i32
          %add3A_690 = arith.addi %mul3A_687, %mul3A_689 : i32
          %get3A = arith.index_cast %add3A_690 : i32 to index
          %get3A_691 = tpu.vector_load %arg5[%get3A] {strides = array<i32>} : memref<25600xi32, #tpu.memory_space<vmem>>, vector<16xi32>,
          %get3A_692 = vector.shape_cast %get3A_691 : vector<16xi32> to vector<16xi32>
          %add3A_693 = arith.constant 1 : i32
          %add3A_694 = vector.broadcast %add3A_693 : i32 to vector<16xi32>
          %add3A_695 = arith.addi %get3A_692, %add3A_694 : vector<16xi32>
          %swap3A = arith.index_cast %add3A_690 : i32 to index
          %swap3A_696 = tpu.vector_load %arg5[%swap3A] {strides = array<i32>} : memref<25600xi32, #tpu.memory_space<vmem>>, vector<16xi32>,
          %swap3A_697 = vector.shape_cast %swap3A_696 : vector<16xi32> to vector<16xi32>
          %swap3A_698 = vector.shape_cast %add3A_695 : vector<16xi32> to vector<16xi32>
          tpu.vector_store %arg5[%swap3A], %swap3A_698 {strides = array<i32>} : memref<25600xi32, #tpu.memory_space<vmem>>, vector<16xi32>,
          %scan3A_699 = arith.constant 0 : i32
          %scan3A_700 = arith.constant 1 : i32
          %scan3A_701 = arith.addi %scan3A_684, %scan3A_700 : i32
          %mul3A_702 = arith.constant 1600 : i32
          %mul3A_703 = arith.muli %add3A_676, %mul3A_702 : i32
          %mul3A_704 = arith.constant 16 : i32
          %mul3A_705 = arith.muli %scan3A_701, %mul3A_704 : i32
          %add3A_706 = arith.addi %mul3A_703, %mul3A_705 : i32
          %get3A_707 = arith.index_cast %add3A_706 : i32 to index
          %get3A_708 = tpu.vector_load %arg5[%get3A_707] {strides = array<i32>} : memref<25600xi32, #tpu.memory_space<vmem>>, vector<16xi32>,
          %get3A_709 = vector.shape_cast %get3A_708 : vector<16xi32> to vector<16xi32>
          %add3A_710 = arith.constant 1 : i32
          %add3A_711 = vector.broadcast %add3A_710 : i32 to vector<16xi32>
          %add3A_712 = arith.addi %get3A_709, %add3A_711 : vector<16xi32>
          %swap3A_713 = arith.index_cast %add3A_706 : i32 to index
          %swap3A_714 = tpu.vector_load %arg5[%swap3A_713] {strides = array<i32>} : memref<25600xi32, #tpu.memory_space<vmem>>, vector<16xi32>,
          %swap3A_715 = vector.shape_cast %swap3A_714 : vector<16xi32> to vector<16xi32>
          %swap3A_716 = vector.shape_cast %add3A_712 : vector<16xi32> to vector<16xi32>
          tpu.vector_store %arg5[%swap3A_713], %swap3A_716 {strides = array<i32>} : memref<25600xi32, #tpu.memory_space<vmem>>, vector<16xi32>,
          %scan3A_717 = arith.constant 0 : i32
          %scan3A_718 = arith.constant 2 : i32
          %scan3A_719 = arith.addi %scan3A_684, %scan3A_718 : i32
          %mul3A_720 = arith.constant 1600 : i32
          %mul3A_721 = arith.muli %add3A_676, %mul3A_720 : i32
          %mul3A_722 = arith.constant 16 : i32
          %mul3A_723 = arith.muli %scan3A_719, %mul3A_722 : i32
          %add3A_724 = arith.addi %mul3A_721, %mul3A_723 : i32
          %get3A_725 = arith.index_cast %add3A_724 : i32 to index
          %get3A_726 = tpu.vector_load %arg5[%get3A_725] {strides = array<i32>} : memref<25600xi32, #tpu.memory_space<vmem>>, vector<16xi32>,
          %get3A_727 = vector.shape_cast %get3A_726 : vector<16xi32> to vector<16xi32>
          %add3A_728 = arith.constant 1 : i32
          %add3A_729 = vector.broadcast %add3A_728 : i32 to vector<16xi32>
          %add3A_730 = arith.addi %get3A_727, %add3A_729 : vector<16xi32>
          %swap3A_731 = arith.index_cast %add3A_724 : i32 to index
          %swap3A_732 = tpu.vector_load %arg5[%swap3A_731] {strides = array<i32>} : memref<25600xi32, #tpu.memory_space<vmem>>, vector<16xi32>,
          %swap3A_733 = vector.shape_cast %swap3A_732 : vector<16xi32> to vector<16xi32>
          %swap3A_734 = vector.shape_cast %add3A_730 : vector<16xi32> to vector<16xi32>
          tpu.vector_store %arg5[%swap3A_731], %swap3A_734 {strides = array<i32>} : memref<25600xi32, #tpu.memory_space<vmem>>, vector<16xi32>,
          %scan3A_735 = arith.constant 0 : i32
          %scan3A_736 = arith.constant 3 : i32
          %scan3A_737 = arith.addi %scan3A_684, %scan3A_736 : i32
          %mul3A_738 = arith.constant 1600 : i32
          %mul3A_739 = arith.muli %add3A_676, %mul3A_738 : i32
          %mul3A_740 = arith.constant 16 : i32
          %mul3A_741 = arith.muli %scan3A_737, %mul3A_740 : i32
          %add3A_742 = arith.addi %mul3A_739, %mul3A_741 : i32
          %get3A_743 = arith.index_cast %add3A_742 : i32 to index
          %get3A_744 = tpu.vector_load %arg5[%get3A_743] {strides = array<i32>} : memref<25600xi32, #tpu.memory_space<vmem>>, vector<16xi32>,
          %get3A_745 = vector.shape_cast %get3A_744 : vector<16xi32> to vector<16xi32>
          %add3A_746 = arith.constant 1 : i32
          %add3A_747 = vector.broadcast %add3A_746 : i32 to vector<16xi32>
          %add3A_748 = arith.addi %get3A_745, %add3A_747 : vector<16xi32>
          %swap3A_749 = arith.index_cast %add3A_742 : i32 to index
          %swap3A_750 = tpu.vector_load %arg5[%swap3A_749] {strides = array<i32>} : memref<25600xi32, #tpu.memory_space<vmem>>, vector<16xi32>,
          %swap3A_751 = vector.shape_cast %swap3A_750 : vector<16xi32> to vector<16xi32>
          %swap3A_752 = vector.shape_cast %add3A_748 : vector<16xi32> to vector<16xi32>
          tpu.vector_store %arg5[%swap3A_749], %swap3A_752 {strides = array<i32>} : memref<25600xi32, #tpu.memory_space<vmem>>, vector<16xi32>,
          %scan3A_753 = arith.constant 0 : i32
          scf.yield %scan3A_753 : i32
        }
        %scan3A_683 = arith.constant 100 : i32
      } else {
      }
      %mul3A_345 = arith.constant 1600 : i32
      %mul3A_346 = arith.muli %mul3A_329, %mul3A_345 : i32
      %multiple_of3A_347 = tpu.assume_multiple %mul3A_346, 1600 : i32
      %dma_wait3A_348 = tpu.memref_slice %arg5[%multiple_of3A_347] : memref<25600xi32, #tpu.memory_space<vmem>> -> memref<1600xi32, #tpu.memory_space<vmem>>
      %dma_wait3A_349 = arith.constant 0 : i32
      %dma_wait3A_350 = arith.constant 0 : i32
      %dma_wait3A_351 = tpu.memref_slice %arg3[%dma_wait3A_349, %dma_wait3A_350] : memref<1000000x32xf32, #tpu.memory_space<hbm>> -> memref<1000000x32xf32, #tpu.memory_space<hbm>>
      tpu.wait_indirect_dma semaphore(%arg8 : memref<!tpu.dma_semaphore, #tpu.memory_space<semaphore_mem>>) src(%dma_wait3A_351 : memref<1000000x32xf32, #tpu.memory_space<hbm>>) dst(%arg6 : memref<1600x32xf32, #tpu.memory_space<vmem>>)
      %mul3A_352 = arith.constant 1600 : i32
      %mul3A_353 = arith.muli %mul3A_329, %mul3A_352 : i32
      %add3A_354 = arith.addi %mul3A_2, %mul3A_353 : i32
      %jit3A_355 = arith.constant 200 : i32
      %div3A_356 = arith.divsi %add3A_354, %jit3A_355 : i32
      %sign3A_357 = arith.constant 0 : i32
      %sign3A_358 = arith.cmpi sgt, %add3A_354, %sign3A_357 : i32
      %sign3A_359 = arith.extui %sign3A_358 : i1 to i32
      %sign3A_360 = arith.constant 0 : i32
      %sign3A_361 = arith.cmpi slt, %add3A_354, %sign3A_360 : i32
      %sign3A_362 = arith.extui %sign3A_361 : i1 to i32
      %sign3A_363 = arith.subi %sign3A_359, %sign3A_362 : i32
      %sign3A_364 = arith.constant 0 : i32
      %sign3A_365 = arith.cmpi sgt, %jit3A_355, %sign3A_364 : i32
      %sign3A_366 = arith.extui %sign3A_365 : i1 to i32
      %sign3A_367 = arith.constant 0 : i32
      %sign3A_368 = arith.cmpi slt, %jit3A_355, %sign3A_367 : i32
      %sign3A_369 = arith.extui %sign3A_368 : i1 to i32
      %sign3A_370 = arith.subi %sign3A_366, %sign3A_369 : i32
      %ne3A_371 = arith.cmpi ne, %sign3A_363, %sign3A_370 : i32
      %rem3A_372 = arith.remsi %add3A_354, %jit3A_355 : i32
      %ne3A_373 = arith.constant 0 : i32
      %ne3A_374 = arith.cmpi ne, %rem3A_372, %ne3A_373 : i32
      %and3A_375 = arith.andi %ne3A_371, %ne3A_374 : i1
      %sub3A_376 = arith.constant 1 : i32
      %sub3A_377 = arith.subi %div3A_356, %sub3A_376 : i32
      %select_n3A_378 = arith.select %and3A_375, %sub3A_377, %div3A_356 : i32
      %add3A_379 = arith.constant 0 : i32
      %add3A_380 = arith.addi %select_n3A_378, %add3A_379 : i32
      %dma_start3A_381 = arith.constant 0 : i32
      %dma_start3A_382 = arith.constant 0 : i32
      %dma_start3A_383 = tpu.memref_slice %arg6[%dma_start3A_381, %dma_start3A_382] : memref<1600x32xf32, #tpu.memory_space<vmem>> -> memref<200x32xf32, #tpu.memory_space<vmem>>
      %dma_start3A_384 = arith.constant 0 : i32
      %dma_start3A_385 = arith.constant 0 : i32
      %dma_start3A_386 = tpu.memref_slice %arg4[%add3A_380, %dma_start3A_384, %dma_start3A_385] : memref<4096x200x32xf32, #tpu.memory_space<hbm>> -> memref<1x200x32xf32, #tpu.memory_space<hbm>>
      %dma_start3A_387 = tpu.memref_squeeze %dma_start3A_386 : memref<1x200x32xf32, #tpu.memory_space<hbm>> -> memref<200x32xf32, #tpu.memory_space<hbm>>
      %dma_start3A_388 = arith.constant 0 : i32
      %dma_start3A_389 = arith.constant 0 : i32
      %dma_start3A_390 = tpu.memref_slice %arg4[%add3A_380, %dma_start3A_388, %dma_start3A_389] : memref<4096x200x32xf32, #tpu.memory_space<hbm>> -> memref<1x200x32xf32, #tpu.memory_space<hbm>>
      %dma_start3A_391 = tpu.memref_squeeze %dma_start3A_390 : memref<1x200x32xf32, #tpu.memory_space<hbm>> -> memref<200x32xf32, #tpu.memory_space<hbm>>
      %dma_start3A_392 = arith.constant 0 : i32
      %dma_start3A_393 = arith.constant 0 : i32
      %dma_start3A_394 = tpu.memref_slice %arg6[%dma_start3A_392, %dma_start3A_393] : memref<1600x32xf32, #tpu.memory_space<vmem>> -> memref<200x32xf32, #tpu.memory_space<vmem>>
      tpu.enqueue_dma source(%dma_start3A_394 : memref<200x32xf32, #tpu.memory_space<vmem>>) target(%dma_start3A_391 : memref<200x32xf32, #tpu.memory_space<hbm>>) target_semaphore(%arg10 : memref<!tpu.dma_semaphore, #tpu.memory_space<semaphore_mem>>)
      %add3A_395 = arith.constant 1 : i32
      %add3A_396 = arith.addi %select_n3A_378, %add3A_395 : i32
      %dma_start3A_397 = arith.constant 200 : i32
      %dma_start3A_398 = arith.constant 0 : i32
      %dma_start3A_399 = tpu.memref_slice %arg6[%dma_start3A_397, %dma_start3A_398] : memref<1600x32xf32, #tpu.memory_space<vmem>> -> memref<200x32xf32, #tpu.memory_space<vmem>>
      %dma_start3A_400 = arith.constant 0 : i32
      %dma_start3A_401 = arith.constant 0 : i32
      %dma_start3A_402 = tpu.memref_slice %arg4[%add3A_396, %dma_start3A_400, %dma_start3A_401] : memref<4096x200x32xf32, #tpu.memory_space<hbm>> -> memref<1x200x32xf32, #tpu.memory_space<hbm>>
      %dma_start3A_403 = tpu.memref_squeeze %dma_start3A_402 : memref<1x200x32xf32, #tpu.memory_space<hbm>> -> memref<200x32xf32, #tpu.memory_space<hbm>>
      %dma_start3A_404 = arith.constant 0 : i32
      %dma_start3A_405 = arith.constant 0 : i32
      %dma_start3A_406 = tpu.memref_slice %arg4[%add3A_396, %dma_start3A_404, %dma_start3A_405] : memref<4096x200x32xf32, #tpu.memory_space<hbm>> -> memref<1x200x32xf32, #tpu.memory_space<hbm>>
      %dma_start3A_407 = tpu.memref_squeeze %dma_start3A_406 : memref<1x200x32xf32, #tpu.memory_space<hbm>> -> memref<200x32xf32, #tpu.memory_space<hbm>>
      %dma_start3A_408 = arith.constant 200 : i32
      %dma_start3A_409 = arith.constant 0 : i32
      %dma_start3A_410 = tpu.memref_slice %arg6[%dma_start3A_408, %dma_start3A_409] : memref<1600x32xf32, #tpu.memory_space<vmem>> -> memref<200x32xf32, #tpu.memory_space<vmem>>
      tpu.enqueue_dma source(%dma_start3A_410 : memref<200x32xf32, #tpu.memory_space<vmem>>) target(%dma_start3A_407 : memref<200x32xf32, #tpu.memory_space<hbm>>) target_semaphore(%arg10 : memref<!tpu.dma_semaphore, #tpu.memory_space<semaphore_mem>>)
      %add3A_411 = arith.constant 2 : i32
      %add3A_412 = arith.addi %select_n3A_378, %add3A_411 : i32
      %dma_start3A_413 = arith.constant 400 : i32
      %dma_start3A_414 = arith.constant 0 : i32
      %dma_start3A_415 = tpu.memref_slice %arg6[%dma_start3A_413, %dma_start3A_414] : memref<1600x32xf32, #tpu.memory_space<vmem>> -> memref<200x32xf32, #tpu.memory_space<vmem>>
      %dma_start3A_416 = arith.constant 0 : i32
      %dma_start3A_417 = arith.constant 0 : i32
      %dma_start3A_418 = tpu.memref_slice %arg4[%add3A_412, %dma_start3A_416, %dma_start3A_417] : memref<4096x200x32xf32, #tpu.memory_space<hbm>> -> memref<1x200x32xf32, #tpu.memory_space<hbm>>
      %dma_start3A_419 = tpu.memref_squeeze %dma_start3A_418 : memref<1x200x32xf32, #tpu.memory_space<hbm>> -> memref<200x32xf32, #tpu.memory_space<hbm>>
      %dma_start3A_420 = arith.constant 0 : i32
      %dma_start3A_421 = arith.constant 0 : i32
      %dma_start3A_422 = tpu.memref_slice %arg4[%add3A_412, %dma_start3A_420, %dma_start3A_421] : memref<4096x200x32xf32, #tpu.memory_space<hbm>> -> memref<1x200x32xf32, #tpu.memory_space<hbm>>
      %dma_start3A_423 = tpu.memref_squeeze %dma_start3A_422 : memref<1x200x32xf32, #tpu.memory_space<hbm>> -> memref<200x32xf32, #tpu.memory_space<hbm>>
      %dma_start3A_424 = arith.constant 400 : i32
      %dma_start3A_425 = arith.constant 0 : i32
      %dma_start3A_426 = tpu.memref_slice %arg6[%dma_start3A_424, %dma_start3A_425] : memref<1600x32xf32, #tpu.memory_space<vmem>> -> memref<200x32xf32, #tpu.memory_space<vmem>>
      tpu.enqueue_dma source(%dma_start3A_426 : memref<200x32xf32, #tpu.memory_space<vmem>>) target(%dma_start3A_423 : memref<200x32xf32, #tpu.memory_space<hbm>>) target_semaphore(%arg10 : memref<!tpu.dma_semaphore, #tpu.memory_space<semaphore_mem>>)
      %add3A_427 = arith.constant 3 : i32
      %add3A_428 = arith.addi %select_n3A_378, %add3A_427 : i32
      %dma_start3A_429 = arith.constant 600 : i32
      %dma_start3A_430 = arith.constant 0 : i32
      %dma_start3A_431 = tpu.memref_slice %arg6[%dma_start3A_429, %dma_start3A_430] : memref<1600x32xf32, #tpu.memory_space<vmem>> -> memref<200x32xf32, #tpu.memory_space<vmem>>
      %dma_start3A_432 = arith.constant 0 : i32
      %dma_start3A_433 = arith.constant 0 : i32
      %dma_start3A_434 = tpu.memref_slice %arg4[%add3A_428, %dma_start3A_432, %dma_start3A_433] : memref<4096x200x32xf32, #tpu.memory_space<hbm>> -> memref<1x200x32xf32, #tpu.memory_space<hbm>>
      %dma_start3A_435 = tpu.memref_squeeze %dma_start3A_434 : memref<1x200x32xf32, #tpu.memory_space<hbm>> -> memref<200x32xf32, #tpu.memory_space<hbm>>
      %dma_start3A_436 = arith.constant 0 : i32
      %dma_start3A_437 = arith.constant 0 : i32
      %dma_start3A_438 = tpu.memref_slice %arg4[%add3A_428, %dma_start3A_436, %dma_start3A_437] : memref<4096x200x32xf32, #tpu.memory_space<hbm>> -> memref<1x200x32xf32, #tpu.memory_space<hbm>>
      %dma_start3A_439 = tpu.memref_squeeze %dma_start3A_438 : memref<1x200x32xf32, #tpu.memory_space<hbm>> -> memref<200x32xf32, #tpu.memory_space<hbm>>
      %dma_start3A_440 = arith.constant 600 : i32
      %dma_start3A_441 = arith.constant 0 : i32
      %dma_start3A_442 = tpu.memref_slice %arg6[%dma_start3A_440, %dma_start3A_441] : memref<1600x32xf32, #tpu.memory_space<vmem>> -> memref<200x32xf32, #tpu.memory_space<vmem>>
      tpu.enqueue_dma source(%dma_start3A_442 : memref<200x32xf32, #tpu.memory_space<vmem>>) target(%dma_start3A_439 : memref<200x32xf32, #tpu.memory_space<hbm>>) target_semaphore(%arg10 : memref<!tpu.dma_semaphore, #tpu.memory_space<semaphore_mem>>)
      %add3A_443 = arith.constant 4 : i32
      %add3A_444 = arith.addi %select_n3A_378, %add3A_443 : i32
      %dma_start3A_445 = arith.constant 800 : i32
      %dma_start3A_446 = arith.constant 0 : i32
      %dma_start3A_447 = tpu.memref_slice %arg6[%dma_start3A_445, %dma_start3A_446] : memref<1600x32xf32, #tpu.memory_space<vmem>> -> memref<200x32xf32, #tpu.memory_space<vmem>>
      %dma_start3A_448 = arith.constant 0 : i32
      %dma_start3A_449 = arith.constant 0 : i32
      %dma_start3A_450 = tpu.memref_slice %arg4[%add3A_444, %dma_start3A_448, %dma_start3A_449] : memref<4096x200x32xf32, #tpu.memory_space<hbm>> -> memref<1x200x32xf32, #tpu.memory_space<hbm>>
      %dma_start3A_451 = tpu.memref_squeeze %dma_start3A_450 : memref<1x200x32xf32, #tpu.memory_space<hbm>> -> memref<200x32xf32, #tpu.memory_space<hbm>>
      %dma_start3A_452 = arith.constant 0 : i32
      %dma_start3A_453 = arith.constant 0 : i32
      %dma_start3A_454 = tpu.memref_slice %arg4[%add3A_444, %dma_start3A_452, %dma_start3A_453] : memref<4096x200x32xf32, #tpu.memory_space<hbm>> -> memref<1x200x32xf32, #tpu.memory_space<hbm>>
      %dma_start3A_455 = tpu.memref_squeeze %dma_start3A_454 : memref<1x200x32xf32, #tpu.memory_space<hbm>> -> memref<200x32xf32, #tpu.memory_space<hbm>>
      %dma_start3A_456 = arith.constant 800 : i32
      %dma_start3A_457 = arith.constant 0 : i32
      %dma_start3A_458 = tpu.memref_slice %arg6[%dma_start3A_456, %dma_start3A_457] : memref<1600x32xf32, #tpu.memory_space<vmem>> -> memref<200x32xf32, #tpu.memory_space<vmem>>
      tpu.enqueue_dma source(%dma_start3A_458 : memref<200x32xf32, #tpu.memory_space<vmem>>) target(%dma_start3A_455 : memref<200x32xf32, #tpu.memory_space<hbm>>) target_semaphore(%arg10 : memref<!tpu.dma_semaphore, #tpu.memory_space<semaphore_mem>>)
      %add3A_459 = arith.constant 5 : i32
      %add3A_460 = arith.addi %select_n3A_378, %add3A_459 : i32
      %dma_start3A_461 = arith.constant 1000 : i32
      %dma_start3A_462 = arith.constant 0 : i32
      %dma_start3A_463 = tpu.memref_slice %arg6[%dma_start3A_461, %dma_start3A_462] : memref<1600x32xf32, #tpu.memory_space<vmem>> -> memref<200x32xf32, #tpu.memory_space<vmem>>
      %dma_start3A_464 = arith.constant 0 : i32
      %dma_start3A_465 = arith.constant 0 : i32
      %dma_start3A_466 = tpu.memref_slice %arg4[%add3A_460, %dma_start3A_464, %dma_start3A_465] : memref<4096x200x32xf32, #tpu.memory_space<hbm>> -> memref<1x200x32xf32, #tpu.memory_space<hbm>>
      %dma_start3A_467 = tpu.memref_squeeze %dma_start3A_466 : memref<1x200x32xf32, #tpu.memory_space<hbm>> -> memref<200x32xf32, #tpu.memory_space<hbm>>
      %dma_start3A_468 = arith.constant 0 : i32
      %dma_start3A_469 = arith.constant 0 : i32
      %dma_start3A_470 = tpu.memref_slice %arg4[%add3A_460, %dma_start3A_468, %dma_start3A_469] : memref<4096x200x32xf32, #tpu.memory_space<hbm>> -> memref<1x200x32xf32, #tpu.memory_space<hbm>>
      %dma_start3A_471 = tpu.memref_squeeze %dma_start3A_470 : memref<1x200x32xf32, #tpu.memory_space<hbm>> -> memref<200x32xf32, #tpu.memory_space<hbm>>
      %dma_start3A_472 = arith.constant 1000 : i32
      %dma_start3A_473 = arith.constant 0 : i32
      %dma_start3A_474 = tpu.memref_slice %arg6[%dma_start3A_472, %dma_start3A_473] : memref<1600x32xf32, #tpu.memory_space<vmem>> -> memref<200x32xf32, #tpu.memory_space<vmem>>
      tpu.enqueue_dma source(%dma_start3A_474 : memref<200x32xf32, #tpu.memory_space<vmem>>) target(%dma_start3A_471 : memref<200x32xf32, #tpu.memory_space<hbm>>) target_semaphore(%arg10 : memref<!tpu.dma_semaphore, #tpu.memory_space<semaphore_mem>>)
      %add3A_475 = arith.constant 6 : i32
      %add3A_476 = arith.addi %select_n3A_378, %add3A_475 : i32
      %dma_start3A_477 = arith.constant 1200 : i32
      %dma_start3A_478 = arith.constant 0 : i32
      %dma_start3A_479 = tpu.memref_slice %arg6[%dma_start3A_477, %dma_start3A_478] : memref<1600x32xf32, #tpu.memory_space<vmem>> -> memref<200x32xf32, #tpu.memory_space<vmem>>
      %dma_start3A_480 = arith.constant 0 : i32
      %dma_start3A_481 = arith.constant 0 : i32
      %dma_start3A_482 = tpu.memref_slice %arg4[%add3A_476, %dma_start3A_480, %dma_start3A_481] : memref<4096x200x32xf32, #tpu.memory_space<hbm>> -> memref<1x200x32xf32, #tpu.memory_space<hbm>>
      %dma_start3A_483 = tpu.memref_squeeze %dma_start3A_482 : memref<1x200x32xf32, #tpu.memory_space<hbm>> -> memref<200x32xf32, #tpu.memory_space<hbm>>
      %dma_start3A_484 = arith.constant 0 : i32
      %dma_start3A_485 = arith.constant 0 : i32
      %dma_start3A_486 = tpu.memref_slice %arg4[%add3A_476, %dma_start3A_484, %dma_start3A_485] : memref<4096x200x32xf32, #tpu.memory_space<hbm>> -> memref<1x200x32xf32, #tpu.memory_space<hbm>>
      %dma_start3A_487 = tpu.memref_squeeze %dma_start3A_486 : memref<1x200x32xf32, #tpu.memory_space<hbm>> -> memref<200x32xf32, #tpu.memory_space<hbm>>
      %dma_start3A_488 = arith.constant 1200 : i32
      %dma_start3A_489 = arith.constant 0 : i32
      %dma_start3A_490 = tpu.memref_slice %arg6[%dma_start3A_488, %dma_start3A_489] : memref<1600x32xf32, #tpu.memory_space<vmem>> -> memref<200x32xf32, #tpu.memory_space<vmem>>
      tpu.enqueue_dma source(%dma_start3A_490 : memref<200x32xf32, #tpu.memory_space<vmem>>) target(%dma_start3A_487 : memref<200x32xf32, #tpu.memory_space<hbm>>) target_semaphore(%arg10 : memref<!tpu.dma_semaphore, #tpu.memory_space<semaphore_mem>>)
      %add3A_491 = arith.constant 7 : i32
      %add3A_492 = arith.addi %select_n3A_378, %add3A_491 : i32
      %dma_start3A_493 = arith.constant 1400 : i32
      %dma_start3A_494 = arith.constant 0 : i32
      %dma_start3A_495 = tpu.memref_slice %arg6[%dma_start3A_493, %dma_start3A_494] : memref<1600x32xf32, #tpu.memory_space<vmem>> -> memref<200x32xf32, #tpu.memory_space<vmem>>
      %dma_start3A_496 = arith.constant 0 : i32
      %dma_start3A_497 = arith.constant 0 : i32
      %dma_start3A_498 = tpu.memref_slice %arg4[%add3A_492, %dma_start3A_496, %dma_start3A_497] : memref<4096x200x32xf32, #tpu.memory_space<hbm>> -> memref<1x200x32xf32, #tpu.memory_space<hbm>>
      %dma_start3A_499 = tpu.memref_squeeze %dma_start3A_498 : memref<1x200x32xf32, #tpu.memory_space<hbm>> -> memref<200x32xf32, #tpu.memory_space<hbm>>
      %dma_start3A_500 = arith.constant 0 : i32
      %dma_start3A_501 = arith.constant 0 : i32
      %dma_start3A_502 = tpu.memref_slice %arg4[%add3A_492, %dma_start3A_500, %dma_start3A_501] : memref<4096x200x32xf32, #tpu.memory_space<hbm>> -> memref<1x200x32xf32, #tpu.memory_space<hbm>>
      %dma_start3A_503 = tpu.memref_squeeze %dma_start3A_502 : memref<1x200x32xf32, #tpu.memory_space<hbm>> -> memref<200x32xf32, #tpu.memory_space<hbm>>
      %dma_start3A_504 = arith.constant 1400 : i32
      %dma_start3A_505 = arith.constant 0 : i32
      %dma_start3A_506 = tpu.memref_slice %arg6[%dma_start3A_504, %dma_start3A_505] : memref<1600x32xf32, #tpu.memory_space<vmem>> -> memref<200x32xf32, #tpu.memory_space<vmem>>
      tpu.enqueue_dma source(%dma_start3A_506 : memref<200x32xf32, #tpu.memory_space<vmem>>) target(%dma_start3A_503 : memref<200x32xf32, #tpu.memory_space<hbm>>) target_semaphore(%arg10 : memref<!tpu.dma_semaphore, #tpu.memory_space<semaphore_mem>>)
      %lt3A_507 = arith.constant 7 : i32
      %lt3A_508 = arith.cmpi slt, %scan3A_326, %lt3A_507 : i32
      %convert_element_type3A_509 = arith.extui %lt3A_508 : i1 to i32
      %cond3A_510 = arith.constant 0 : i32
      %cond3A_511 = arith.cmpi ne, %convert_element_type3A_509, %cond3A_510 : i32
      scf.if %cond3A_511 {
        %mul3A_675 = arith.constant 1600 : i32
        %mul3A_676 = arith.muli %mul3A_329, %mul3A_675 : i32
        %add3A_677 = arith.addi %mul3A_2, %mul3A_676 : i32
        %jit3A_678 = arith.constant 200 : i32
        %div3A_679 = arith.divsi %add3A_677, %jit3A_678 : i32
        %sign3A_680 = arith.constant 0 : i32
        %sign3A_681 = arith.cmpi sgt, %add3A_677, %sign3A_680 : i32
        %sign3A_682 = arith.extui %sign3A_681 : i1 to i32
        %sign3A_683 = arith.constant 0 : i32
        %sign3A_684 = arith.cmpi slt, %add3A_677, %sign3A_683 : i32
        %sign3A_685 = arith.extui %sign3A_684 : i1 to i32
        %sign3A_686 = arith.subi %sign3A_682, %sign3A_685 : i32
        %sign3A_687 = arith.constant 0 : i32
        %sign3A_688 = arith.cmpi sgt, %jit3A_678, %sign3A_687 : i32
        %sign3A_689 = arith.extui %sign3A_688 : i1 to i32
        %sign3A_690 = arith.constant 0 : i32
        %sign3A_691 = arith.cmpi slt, %jit3A_678, %sign3A_690 : i32
        %sign3A_692 = arith.extui %sign3A_691 : i1 to i32
        %sign3A_693 = arith.subi %sign3A_689, %sign3A_692 : i32
        %ne3A_694 = arith.cmpi ne, %sign3A_686, %sign3A_693 : i32
        %rem3A_695 = arith.remsi %add3A_677, %jit3A_678 : i32
        %ne3A_696 = arith.constant 0 : i32
        %ne3A_697 = arith.cmpi ne, %rem3A_695, %ne3A_696 : i32
        %and3A_698 = arith.andi %ne3A_694, %ne3A_697 : i1
        %sub3A_699 = arith.constant 1 : i32
        %sub3A_700 = arith.subi %div3A_679, %sub3A_699 : i32
        %select_n3A_701 = arith.select %and3A_698, %sub3A_700, %div3A_679 : i32
        %add3A_702 = arith.constant 0 : i32
        %add3A_703 = arith.addi %select_n3A_701, %add3A_702 : i32
        %dma_wait3A_704 = arith.constant 0 : i32
        %dma_wait3A_705 = arith.constant 0 : i32
        %dma_wait3A_706 = tpu.memref_slice %arg6[%dma_wait3A_704, %dma_wait3A_705] : memref<1600x32xf32, #tpu.memory_space<vmem>> -> memref<200x32xf32, #tpu.memory_space<vmem>>
        %dma_wait3A_707 = arith.constant 0 : i32
        %dma_wait3A_708 = arith.constant 0 : i32
        %dma_wait3A_709 = tpu.memref_slice %arg4[%add3A_703, %dma_wait3A_707, %dma_wait3A_708] : memref<4096x200x32xf32, #tpu.memory_space<hbm>> -> memref<1x200x32xf32, #tpu.memory_space<hbm>>
        %dma_wait3A_710 = tpu.memref_squeeze %dma_wait3A_709 : memref<1x200x32xf32, #tpu.memory_space<hbm>> -> memref<200x32xf32, #tpu.memory_space<hbm>>
        %dma_wait3A_711 = arith.constant 0 : i32
        %dma_wait3A_712 = arith.constant 0 : i32
        %dma_wait3A_713 = tpu.memref_slice %arg4[%add3A_703, %dma_wait3A_711, %dma_wait3A_712] : memref<4096x200x32xf32, #tpu.memory_space<hbm>> -> memref<1x200x32xf32, #tpu.memory_space<hbm>>
        %dma_wait3A_714 = tpu.memref_squeeze %dma_wait3A_713 : memref<1x200x32xf32, #tpu.memory_space<hbm>> -> memref<200x32xf32, #tpu.memory_space<hbm>>
        %dma_wait3A_715 = arith.constant 0 : i32
        %dma_wait3A_716 = arith.constant 0 : i32
        %dma_wait3A_717 = tpu.memref_slice %arg6[%dma_wait3A_715, %dma_wait3A_716] : memref<1600x32xf32, #tpu.memory_space<vmem>> -> memref<200x32xf32, #tpu.memory_space<vmem>>
        tpu.wait_dma2 semaphore(%arg10 : memref<!tpu.dma_semaphore, #tpu.memory_space<semaphore_mem>>) src(%dma_wait3A_717 : memref<200x32xf32, #tpu.memory_space<vmem>>) dst(%dma_wait3A_714 : memref<200x32xf32, #tpu.memory_space<hbm>>)
        %add3A_718 = arith.constant 1 : i32
        %add3A_719 = arith.addi %select_n3A_701, %add3A_718 : i32
        %dma_wait3A_720 = arith.constant 200 : i32
        %dma_wait3A_721 = arith.constant 0 : i32
        %dma_wait3A_722 = tpu.memref_slice %arg6[%dma_wait3A_720, %dma_wait3A_721] : memref<1600x32xf32, #tpu.memory_space<vmem>> -> memref<200x32xf32, #tpu.memory_space<vmem>>
        %dma_wait3A_723 = arith.constant 0 : i32
        %dma_wait3A_724 = arith.constant 0 : i32
        %dma_wait3A_725 = tpu.memref_slice %arg4[%add3A_719, %dma_wait3A_723, %dma_wait3A_724] : memref<4096x200x32xf32, #tpu.memory_space<hbm>> -> memref<1x200x32xf32, #tpu.memory_space<hbm>>
        %dma_wait3A_726 = tpu.memref_squeeze %dma_wait3A_725 : memref<1x200x32xf32, #tpu.memory_space<hbm>> -> memref<200x32xf32, #tpu.memory_space<hbm>>
        %dma_wait3A_727 = arith.constant 0 : i32
        %dma_wait3A_728 = arith.constant 0 : i32
        %dma_wait3A_729 = tpu.memref_slice %arg4[%add3A_719, %dma_wait3A_727, %dma_wait3A_728] : memref<4096x200x32xf32, #tpu.memory_space<hbm>> -> memref<1x200x32xf32, #tpu.memory_space<hbm>>
        %dma_wait3A_730 = tpu.memref_squeeze %dma_wait3A_729 : memref<1x200x32xf32, #tpu.memory_space<hbm>> -> memref<200x32xf32, #tpu.memory_space<hbm>>
        %dma_wait3A_731 = arith.constant 200 : i32
        %dma_wait3A_732 = arith.constant 0 : i32
        %dma_wait3A_733 = tpu.memref_slice %arg6[%dma_wait3A_731, %dma_wait3A_732] : memref<1600x32xf32, #tpu.memory_space<vmem>> -> memref<200x32xf32, #tpu.memory_space<vmem>>
        tpu.wait_dma2 semaphore(%arg10 : memref<!tpu.dma_semaphore, #tpu.memory_space<semaphore_mem>>) src(%dma_wait3A_733 : memref<200x32xf32, #tpu.memory_space<vmem>>) dst(%dma_wait3A_730 : memref<200x32xf32, #tpu.memory_space<hbm>>)
        %add3A_734 = arith.constant 2 : i32
        %add3A_735 = arith.addi %select_n3A_701, %add3A_734 : i32
        %dma_wait3A_736 = arith.constant 400 : i32
        %dma_wait3A_737 = arith.constant 0 : i32
        %dma_wait3A_738 = tpu.memref_slice %arg6[%dma_wait3A_736, %dma_wait3A_737] : memref<1600x32xf32, #tpu.memory_space<vmem>> -> memref<200x32xf32, #tpu.memory_space<vmem>>
        %dma_wait3A_739 = arith.constant 0 : i32
        %dma_wait3A_740 = arith.constant 0 : i32
        %dma_wait3A_741 = tpu.memref_slice %arg4[%add3A_735, %dma_wait3A_739, %dma_wait3A_740] : memref<4096x200x32xf32, #tpu.memory_space<hbm>> -> memref<1x200x32xf32, #tpu.memory_space<hbm>>
        %dma_wait3A_742 = tpu.memref_squeeze %dma_wait3A_741 : memref<1x200x32xf32, #tpu.memory_space<hbm>> -> memref<200x32xf32, #tpu.memory_space<hbm>>
        %dma_wait3A_743 = arith.constant 0 : i32
        %dma_wait3A_744 = arith.constant 0 : i32
        %dma_wait3A_745 = tpu.memref_slice %arg4[%add3A_735, %dma_wait3A_743, %dma_wait3A_744] : memref<4096x200x32xf32, #tpu.memory_space<hbm>> -> memref<1x200x32xf32, #tpu.memory_space<hbm>>
        %dma_wait3A_746 = tpu.memref_squeeze %dma_wait3A_745 : memref<1x200x32xf32, #tpu.memory_space<hbm>> -> memref<200x32xf32, #tpu.memory_space<hbm>>
        %dma_wait3A_747 = arith.constant 400 : i32
        %dma_wait3A_748 = arith.constant 0 : i32
        %dma_wait3A_749 = tpu.memref_slice %arg6[%dma_wait3A_747, %dma_wait3A_748] : memref<1600x32xf32, #tpu.memory_space<vmem>> -> memref<200x32xf32, #tpu.memory_space<vmem>>
        tpu.wait_dma2 semaphore(%arg10 : memref<!tpu.dma_semaphore, #tpu.memory_space<semaphore_mem>>) src(%dma_wait3A_749 : memref<200x32xf32, #tpu.memory_space<vmem>>) dst(%dma_wait3A_746 : memref<200x32xf32, #tpu.memory_space<hbm>>)
        %add3A_750 = arith.constant 3 : i32
        %add3A_751 = arith.addi %select_n3A_701, %add3A_750 : i32
        %dma_wait3A_752 = arith.constant 600 : i32
        %dma_wait3A_753 = arith.constant 0 : i32
        %dma_wait3A_754 = tpu.memref_slice %arg6[%dma_wait3A_752, %dma_wait3A_753] : memref<1600x32xf32, #tpu.memory_space<vmem>> -> memref<200x32xf32, #tpu.memory_space<vmem>>
        %dma_wait3A_755 = arith.constant 0 : i32
        %dma_wait3A_756 = arith.constant 0 : i32
        %dma_wait3A_757 = tpu.memref_slice %arg4[%add3A_751, %dma_wait3A_755, %dma_wait3A_756] : memref<4096x200x32xf32, #tpu.memory_space<hbm>> -> memref<1x200x32xf32, #tpu.memory_space<hbm>>
        %dma_wait3A_758 = tpu.memref_squeeze %dma_wait3A_757 : memref<1x200x32xf32, #tpu.memory_space<hbm>> -> memref<200x32xf32, #tpu.memory_space<hbm>>
        %dma_wait3A_759 = arith.constant 0 : i32
        %dma_wait3A_760 = arith.constant 0 : i32
        %dma_wait3A_761 = tpu.memref_slice %arg4[%add3A_751, %dma_wait3A_759, %dma_wait3A_760] : memref<4096x200x32xf32, #tpu.memory_space<hbm>> -> memref<1x200x32xf32, #tpu.memory_space<hbm>>
        %dma_wait3A_762 = tpu.memref_squeeze %dma_wait3A_761 : memref<1x200x32xf32, #tpu.memory_space<hbm>> -> memref<200x32xf32, #tpu.memory_space<hbm>>
        %dma_wait3A_763 = arith.constant 600 : i32
        %dma_wait3A_764 = arith.constant 0 : i32
        %dma_wait3A_765 = tpu.memref_slice %arg6[%dma_wait3A_763, %dma_wait3A_764] : memref<1600x32xf32, #tpu.memory_space<vmem>> -> memref<200x32xf32, #tpu.memory_space<vmem>>
        tpu.wait_dma2 semaphore(%arg10 : memref<!tpu.dma_semaphore, #tpu.memory_space<semaphore_mem>>) src(%dma_wait3A_765 : memref<200x32xf32, #tpu.memory_space<vmem>>) dst(%dma_wait3A_762 : memref<200x32xf32, #tpu.memory_space<hbm>>)
        %add3A_766 = arith.constant 4 : i32
        %add3A_767 = arith.addi %select_n3A_701, %add3A_766 : i32
        %dma_wait3A_768 = arith.constant 800 : i32
        %dma_wait3A_769 = arith.constant 0 : i32
        %dma_wait3A_770 = tpu.memref_slice %arg6[%dma_wait3A_768, %dma_wait3A_769] : memref<1600x32xf32, #tpu.memory_space<vmem>> -> memref<200x32xf32, #tpu.memory_space<vmem>>
        %dma_wait3A_771 = arith.constant 0 : i32
        %dma_wait3A_772 = arith.constant 0 : i32
        %dma_wait3A_773 = tpu.memref_slice %arg4[%add3A_767, %dma_wait3A_771, %dma_wait3A_772] : memref<4096x200x32xf32, #tpu.memory_space<hbm>> -> memref<1x200x32xf32, #tpu.memory_space<hbm>>
        %dma_wait3A_774 = tpu.memref_squeeze %dma_wait3A_773 : memref<1x200x32xf32, #tpu.memory_space<hbm>> -> memref<200x32xf32, #tpu.memory_space<hbm>>
        %dma_wait3A_775 = arith.constant 0 : i32
        %dma_wait3A_776 = arith.constant 0 : i32
        %dma_wait3A_777 = tpu.memref_slice %arg4[%add3A_767, %dma_wait3A_775, %dma_wait3A_776] : memref<4096x200x32xf32, #tpu.memory_space<hbm>> -> memref<1x200x32xf32, #tpu.memory_space<hbm>>
        %dma_wait3A_778 = tpu.memref_squeeze %dma_wait3A_777 : memref<1x200x32xf32, #tpu.memory_space<hbm>> -> memref<200x32xf32, #tpu.memory_space<hbm>>
        %dma_wait3A_779 = arith.constant 800 : i32
        %dma_wait3A_780 = arith.constant 0 : i32
        %dma_wait3A_781 = tpu.memref_slice %arg6[%dma_wait3A_779, %dma_wait3A_780] : memref<1600x32xf32, #tpu.memory_space<vmem>> -> memref<200x32xf32, #tpu.memory_space<vmem>>
        tpu.wait_dma2 semaphore(%arg10 : memref<!tpu.dma_semaphore, #tpu.memory_space<semaphore_mem>>) src(%dma_wait3A_781 : memref<200x32xf32, #tpu.memory_space<vmem>>) dst(%dma_wait3A_778 : memref<200x32xf32, #tpu.memory_space<hbm>>)
        %add3A_782 = arith.constant 5 : i32
        %add3A_783 = arith.addi %select_n3A_701, %add3A_782 : i32
        %dma_wait3A_784 = arith.constant 1000 : i32
        %dma_wait3A_785 = arith.constant 0 : i32
        %dma_wait3A_786 = tpu.memref_slice %arg6[%dma_wait3A_784, %dma_wait3A_785] : memref<1600x32xf32, #tpu.memory_space<vmem>> -> memref<200x32xf32, #tpu.memory_space<vmem>>
        %dma_wait3A_787 = arith.constant 0 : i32
        %dma_wait3A_788 = arith.constant 0 : i32
        %dma_wait3A_789 = tpu.memref_slice %arg4[%add3A_783, %dma_wait3A_787, %dma_wait3A_788] : memref<4096x200x32xf32, #tpu.memory_space<hbm>> -> memref<1x200x32xf32, #tpu.memory_space<hbm>>
        %dma_wait3A_790 = tpu.memref_squeeze %dma_wait3A_789 : memref<1x200x32xf32, #tpu.memory_space<hbm>> -> memref<200x32xf32, #tpu.memory_space<hbm>>
        %dma_wait3A_791 = arith.constant 0 : i32
        %dma_wait3A_792 = arith.constant 0 : i32
        %dma_wait3A_793 = tpu.memref_slice %arg4[%add3A_783, %dma_wait3A_791, %dma_wait3A_792] : memref<4096x200x32xf32, #tpu.memory_space<hbm>> -> memref<1x200x32xf32, #tpu.memory_space<hbm>>
        %dma_wait3A_794 = tpu.memref_squeeze %dma_wait3A_793 : memref<1x200x32xf32, #tpu.memory_space<hbm>> -> memref<200x32xf32, #tpu.memory_space<hbm>>
        %dma_wait3A_795 = arith.constant 1000 : i32
        %dma_wait3A_796 = arith.constant 0 : i32
        %dma_wait3A_797 = tpu.memref_slice %arg6[%dma_wait3A_795, %dma_wait3A_796] : memref<1600x32xf32, #tpu.memory_space<vmem>> -> memref<200x32xf32, #tpu.memory_space<vmem>>
        tpu.wait_dma2 semaphore(%arg10 : memref<!tpu.dma_semaphore, #tpu.memory_space<semaphore_mem>>) src(%dma_wait3A_797 : memref<200x32xf32, #tpu.memory_space<vmem>>) dst(%dma_wait3A_794 : memref<200x32xf32, #tpu.memory_space<hbm>>)
        %add3A_798 = arith.constant 6 : i32
        %add3A_799 = arith.addi %select_n3A_701, %add3A_798 : i32
        %dma_wait3A_800 = arith.constant 1200 : i32
        %dma_wait3A_801 = arith.constant 0 : i32
        %dma_wait3A_802 = tpu.memref_slice %arg6[%dma_wait3A_800, %dma_wait3A_801] : memref<1600x32xf32, #tpu.memory_space<vmem>> -> memref<200x32xf32, #tpu.memory_space<vmem>>
        %dma_wait3A_803 = arith.constant 0 : i32
        %dma_wait3A_804 = arith.constant 0 : i32
        %dma_wait3A_805 = tpu.memref_slice %arg4[%add3A_799, %dma_wait3A_803, %dma_wait3A_804] : memref<4096x200x32xf32, #tpu.memory_space<hbm>> -> memref<1x200x32xf32, #tpu.memory_space<hbm>>
        %dma_wait3A_806 = tpu.memref_squeeze %dma_wait3A_805 : memref<1x200x32xf32, #tpu.memory_space<hbm>> -> memref<200x32xf32, #tpu.memory_space<hbm>>
        %dma_wait3A_807 = arith.constant 0 : i32
        %dma_wait3A_808 = arith.constant 0 : i32
        %dma_wait3A_809 = tpu.memref_slice %arg4[%add3A_799, %dma_wait3A_807, %dma_wait3A_808] : memref<4096x200x32xf32, #tpu.memory_space<hbm>> -> memref<1x200x32xf32, #tpu.memory_space<hbm>>
        %dma_wait3A_810 = tpu.memref_squeeze %dma_wait3A_809 : memref<1x200x32xf32, #tpu.memory_space<hbm>> -> memref<200x32xf32, #tpu.memory_space<hbm>>
        %dma_wait3A_811 = arith.constant 1200 : i32
        %dma_wait3A_812 = arith.constant 0 : i32
        %dma_wait3A_813 = tpu.memref_slice %arg6[%dma_wait3A_811, %dma_wait3A_812] : memref<1600x32xf32, #tpu.memory_space<vmem>> -> memref<200x32xf32, #tpu.memory_space<vmem>>
        tpu.wait_dma2 semaphore(%arg10 : memref<!tpu.dma_semaphore, #tpu.memory_space<semaphore_mem>>) src(%dma_wait3A_813 : memref<200x32xf32, #tpu.memory_space<vmem>>) dst(%dma_wait3A_810 : memref<200x32xf32, #tpu.memory_space<hbm>>)
        %add3A_814 = arith.constant 7 : i32
        %add3A_815 = arith.addi %select_n3A_701, %add3A_814 : i32
        %dma_wait3A_816 = arith.constant 1400 : i32
        %dma_wait3A_817 = arith.constant 0 : i32
        %dma_wait3A_818 = tpu.memref_slice %arg6[%dma_wait3A_816, %dma_wait3A_817] : memref<1600x32xf32, #tpu.memory_space<vmem>> -> memref<200x32xf32, #tpu.memory_space<vmem>>
        %dma_wait3A_819 = arith.constant 0 : i32
        %dma_wait3A_820 = arith.constant 0 : i32
        %dma_wait3A_821 = tpu.memref_slice %arg4[%add3A_815, %dma_wait3A_819, %dma_wait3A_820] : memref<4096x200x32xf32, #tpu.memory_space<hbm>> -> memref<1x200x32xf32, #tpu.memory_space<hbm>>
        %dma_wait3A_822 = tpu.memref_squeeze %dma_wait3A_821 : memref<1x200x32xf32, #tpu.memory_space<hbm>> -> memref<200x32xf32, #tpu.memory_space<hbm>>
        %dma_wait3A_823 = arith.constant 0 : i32
        %dma_wait3A_824 = arith.constant 0 : i32
        %dma_wait3A_825 = tpu.memref_slice %arg4[%add3A_815, %dma_wait3A_823, %dma_wait3A_824] : memref<4096x200x32xf32, #tpu.memory_space<hbm>> -> memref<1x200x32xf32, #tpu.memory_space<hbm>>
        %dma_wait3A_826 = tpu.memref_squeeze %dma_wait3A_825 : memref<1x200x32xf32, #tpu.memory_space<hbm>> -> memref<200x32xf32, #tpu.memory_space<hbm>>
        %dma_wait3A_827 = arith.constant 1400 : i32
        %dma_wait3A_828 = arith.constant 0 : i32
        %dma_wait3A_829 = tpu.memref_slice %arg6[%dma_wait3A_827, %dma_wait3A_828] : memref<1600x32xf32, #tpu.memory_space<vmem>> -> memref<200x32xf32, #tpu.memory_space<vmem>>
        tpu.wait_dma2 semaphore(%arg10 : memref<!tpu.dma_semaphore, #tpu.memory_space<semaphore_mem>>) src(%dma_wait3A_829 : memref<200x32xf32, #tpu.memory_space<vmem>>) dst(%dma_wait3A_826 : memref<200x32xf32, #tpu.memory_space<hbm>>)
        %add3A_830 = arith.constant 1 : i32
        %add3A_831 = arith.addi %add3A_331, %add3A_830 : i32
        %mul3A_832 = arith.constant 1600 : i32
        %mul3A_833 = arith.muli %add3A_831, %mul3A_832 : i32
        %multiple_of3A_834 = tpu.assume_multiple %mul3A_833, 1600 : i32
        %dma_start3A_835 = tpu.memref_slice %arg5[%multiple_of3A_834] : memref<25600xi32, #tpu.memory_space<vmem>> -> memref<1600xi32, #tpu.memory_space<vmem>>
        %dma_start3A_836 = arith.constant 0 : i32
        %dma_start3A_837 = arith.constant 0 : i32
        %dma_start3A_838 = tpu.memref_slice %arg3[%dma_start3A_836, %dma_start3A_837] : memref<1000000x32xf32, #tpu.memory_space<hbm>> -> memref<1000000x32xf32, #tpu.memory_space<hbm>>
        tpu.enqueue_indirect_dma source(%dma_start3A_838 : memref<1000000x32xf32, #tpu.memory_space<hbm>>) target(%arg6 : memref<1600x32xf32, #tpu.memory_space<vmem>>) offsets(%dma_start3A_835 : memref<1600xi32, #tpu.memory_space<vmem>>) semaphore(%arg8 : memref<!tpu.dma_semaphore, #tpu.memory_space<semaphore_mem>>)
        %add3A_839 = arith.constant 2 : i32
        %add3A_840 = arith.addi %add3A_331, %add3A_839 : i32
        %scan3A_841 = arith.constant 0 : i32
        %scan3A_842 = arith.constant 0 : i32
        %scan3A_843 = arith.constant 100 : i32
        %scan3A_844 = arith.addi %scan3A_842, %scan3A_843 : i32
        %scan3A_845 = arith.constant 4 : i32
        %scan3A_846 = scf.for %scan3A_848 = %scan3A_842 to %scan3A_844 step %scan3A_845 iter_args(%scan3A_849 = %scan3A_841) -> (i32)  : i32 {
          %mul3A_850 = arith.constant 1600 : i32
          %mul3A_851 = arith.muli %add3A_840, %mul3A_850 : i32
          %mul3A_852 = arith.constant 16 : i32
          %mul3A_853 = arith.muli %scan3A_848, %mul3A_852 : i32
          %add3A_854 = arith.addi %mul3A_851, %mul3A_853 : i32
          %get3A = arith.index_cast %add3A_854 : i32 to index
          %get3A_855 = tpu.vector_load %arg5[%get3A] {strides = array<i32>} : memref<25600xi32, #tpu.memory_space<vmem>>, vector<16xi32>,
          %get3A_856 = vector.shape_cast %get3A_855 : vector<16xi32> to vector<16xi32>
          %add3A_857 = arith.constant 1 : i32
          %add3A_858 = vector.broadcast %add3A_857 : i32 to vector<16xi32>
          %add3A_859 = arith.addi %get3A_856, %add3A_858 : vector<16xi32>
          %swap3A = arith.index_cast %add3A_854 : i32 to index
          %swap3A_860 = tpu.vector_load %arg5[%swap3A] {strides = array<i32>} : memref<25600xi32, #tpu.memory_space<vmem>>, vector<16xi32>,
          %swap3A_861 = vector.shape_cast %swap3A_860 : vector<16xi32> to vector<16xi32>
          %swap3A_862 = vector.shape_cast %add3A_859 : vector<16xi32> to vector<16xi32>
          tpu.vector_store %arg5[%swap3A], %swap3A_862 {strides = array<i32>} : memref<25600xi32, #tpu.memory_space<vmem>>, vector<16xi32>,
          %scan3A_863 = arith.constant 0 : i32
          %scan3A_864 = arith.constant 1 : i32
          %scan3A_865 = arith.addi %scan3A_848, %scan3A_864 : i32
          %mul3A_866 = arith.constant 1600 : i32
          %mul3A_867 = arith.muli %add3A_840, %mul3A_866 : i32
          %mul3A_868 = arith.constant 16 : i32
          %mul3A_869 = arith.muli %scan3A_865, %mul3A_868 : i32
          %add3A_870 = arith.addi %mul3A_867, %mul3A_869 : i32
          %get3A_871 = arith.index_cast %add3A_870 : i32 to index
          %get3A_872 = tpu.vector_load %arg5[%get3A_871] {strides = array<i32>} : memref<25600xi32, #tpu.memory_space<vmem>>, vector<16xi32>,
          %get3A_873 = vector.shape_cast %get3A_872 : vector<16xi32> to vector<16xi32>
          %add3A_874 = arith.constant 1 : i32
          %add3A_875 = vector.broadcast %add3A_874 : i32 to vector<16xi32>
          %add3A_876 = arith.addi %get3A_873, %add3A_875 : vector<16xi32>
          %swap3A_877 = arith.index_cast %add3A_870 : i32 to index
          %swap3A_878 = tpu.vector_load %arg5[%swap3A_877] {strides = array<i32>} : memref<25600xi32, #tpu.memory_space<vmem>>, vector<16xi32>,
          %swap3A_879 = vector.shape_cast %swap3A_878 : vector<16xi32> to vector<16xi32>
          %swap3A_880 = vector.shape_cast %add3A_876 : vector<16xi32> to vector<16xi32>
          tpu.vector_store %arg5[%swap3A_877], %swap3A_880 {strides = array<i32>} : memref<25600xi32, #tpu.memory_space<vmem>>, vector<16xi32>,
          %scan3A_881 = arith.constant 0 : i32
          %scan3A_882 = arith.constant 2 : i32
          %scan3A_883 = arith.addi %scan3A_848, %scan3A_882 : i32
          %mul3A_884 = arith.constant 1600 : i32
          %mul3A_885 = arith.muli %add3A_840, %mul3A_884 : i32
          %mul3A_886 = arith.constant 16 : i32
          %mul3A_887 = arith.muli %scan3A_883, %mul3A_886 : i32
          %add3A_888 = arith.addi %mul3A_885, %mul3A_887 : i32
          %get3A_889 = arith.index_cast %add3A_888 : i32 to index
          %get3A_890 = tpu.vector_load %arg5[%get3A_889] {strides = array<i32>} : memref<25600xi32, #tpu.memory_space<vmem>>, vector<16xi32>,
          %get3A_891 = vector.shape_cast %get3A_890 : vector<16xi32> to vector<16xi32>
          %add3A_892 = arith.constant 1 : i32
          %add3A_893 = vector.broadcast %add3A_892 : i32 to vector<16xi32>
          %add3A_894 = arith.addi %get3A_891, %add3A_893 : vector<16xi32>
          %swap3A_895 = arith.index_cast %add3A_888 : i32 to index
          %swap3A_896 = tpu.vector_load %arg5[%swap3A_895] {strides = array<i32>} : memref<25600xi32, #tpu.memory_space<vmem>>, vector<16xi32>,
          %swap3A_897 = vector.shape_cast %swap3A_896 : vector<16xi32> to vector<16xi32>
          %swap3A_898 = vector.shape_cast %add3A_894 : vector<16xi32> to vector<16xi32>
          tpu.vector_store %arg5[%swap3A_895], %swap3A_898 {strides = array<i32>} : memref<25600xi32, #tpu.memory_space<vmem>>, vector<16xi32>,
          %scan3A_899 = arith.constant 0 : i32
          %scan3A_900 = arith.constant 3 : i32
          %scan3A_901 = arith.addi %scan3A_848, %scan3A_900 : i32
          %mul3A_902 = arith.constant 1600 : i32
          %mul3A_903 = arith.muli %add3A_840, %mul3A_902 : i32
          %mul3A_904 = arith.constant 16 : i32
          %mul3A_905 = arith.muli %scan3A_901, %mul3A_904 : i32
          %add3A_906 = arith.addi %mul3A_903, %mul3A_905 : i32
          %get3A_907 = arith.index_cast %add3A_906 : i32 to index
          %get3A_908 = tpu.vector_load %arg5[%get3A_907] {strides = array<i32>} : memref<25600xi32, #tpu.memory_space<vmem>>, vector<16xi32>,
          %get3A_909 = vector.shape_cast %get3A_908 : vector<16xi32> to vector<16xi32>
          %add3A_910 = arith.constant 1 : i32
          %add3A_911 = vector.broadcast %add3A_910 : i32 to vector<16xi32>
          %add3A_912 = arith.addi %get3A_909, %add3A_911 : vector<16xi32>
          %swap3A_913 = arith.index_cast %add3A_906 : i32 to index
          %swap3A_914 = tpu.vector_load %arg5[%swap3A_913] {strides = array<i32>} : memref<25600xi32, #tpu.memory_space<vmem>>, vector<16xi32>,
          %swap3A_915 = vector.shape_cast %swap3A_914 : vector<16xi32> to vector<16xi32>
          %swap3A_916 = vector.shape_cast %add3A_912 : vector<16xi32> to vector<16xi32>
          tpu.vector_store %arg5[%swap3A_913], %swap3A_916 {strides = array<i32>} : memref<25600xi32, #tpu.memory_space<vmem>>, vector<16xi32>,
          %scan3A_917 = arith.constant 0 : i32
          scf.yield %scan3A_917 : i32
        }
        %scan3A_847 = arith.constant 100 : i32
      } else {
      }
      %mul3A_512 = arith.constant 1600 : i32
      %mul3A_513 = arith.muli %add3A_331, %mul3A_512 : i32
      %multiple_of3A_514 = tpu.assume_multiple %mul3A_513, 1600 : i32
      %dma_wait3A_515 = tpu.memref_slice %arg5[%multiple_of3A_514] : memref<25600xi32, #tpu.memory_space<vmem>> -> memref<1600xi32, #tpu.memory_space<vmem>>
      %dma_wait3A_516 = arith.constant 0 : i32
      %dma_wait3A_517 = arith.constant 0 : i32
      %dma_wait3A_518 = tpu.memref_slice %arg3[%dma_wait3A_516, %dma_wait3A_517] : memref<1000000x32xf32, #tpu.memory_space<hbm>> -> memref<1000000x32xf32, #tpu.memory_space<hbm>>
      tpu.wait_indirect_dma semaphore(%arg9 : memref<!tpu.dma_semaphore, #tpu.memory_space<semaphore_mem>>) src(%dma_wait3A_518 : memref<1000000x32xf32, #tpu.memory_space<hbm>>) dst(%arg7 : memref<1600x32xf32, #tpu.memory_space<vmem>>)
      %mul3A_519 = arith.constant 1600 : i32
      %mul3A_520 = arith.muli %add3A_331, %mul3A_519 : i32
      %add3A_521 = arith.addi %mul3A_2, %mul3A_520 : i32
      %jit3A_522 = arith.constant 200 : i32
      %div3A_523 = arith.divsi %add3A_521, %jit3A_522 : i32
      %sign3A_524 = arith.constant 0 : i32
      %sign3A_525 = arith.cmpi sgt, %add3A_521, %sign3A_524 : i32
      %sign3A_526 = arith.extui %sign3A_525 : i1 to i32
      %sign3A_527 = arith.constant 0 : i32
      %sign3A_528 = arith.cmpi slt, %add3A_521, %sign3A_527 : i32
      %sign3A_529 = arith.extui %sign3A_528 : i1 to i32
      %sign3A_530 = arith.subi %sign3A_526, %sign3A_529 : i32
      %sign3A_531 = arith.constant 0 : i32
      %sign3A_532 = arith.cmpi sgt, %jit3A_522, %sign3A_531 : i32
      %sign3A_533 = arith.extui %sign3A_532 : i1 to i32
      %sign3A_534 = arith.constant 0 : i32
      %sign3A_535 = arith.cmpi slt, %jit3A_522, %sign3A_534 : i32
      %sign3A_536 = arith.extui %sign3A_535 : i1 to i32
      %sign3A_537 = arith.subi %sign3A_533, %sign3A_536 : i32
      %ne3A_538 = arith.cmpi ne, %sign3A_530, %sign3A_537 : i32
      %rem3A_539 = arith.remsi %add3A_521, %jit3A_522 : i32
      %ne3A_540 = arith.constant 0 : i32
      %ne3A_541 = arith.cmpi ne, %rem3A_539, %ne3A_540 : i32
      %and3A_542 = arith.andi %ne3A_538, %ne3A_541 : i1
      %sub3A_543 = arith.constant 1 : i32
      %sub3A_544 = arith.subi %div3A_523, %sub3A_543 : i32
      %select_n3A_545 = arith.select %and3A_542, %sub3A_544, %div3A_523 : i32
      %add3A_546 = arith.constant 0 : i32
      %add3A_547 = arith.addi %select_n3A_545, %add3A_546 : i32
      %dma_start3A_548 = arith.constant 0 : i32
      %dma_start3A_549 = arith.constant 0 : i32
      %dma_start3A_550 = tpu.memref_slice %arg7[%dma_start3A_548, %dma_start3A_549] : memref<1600x32xf32, #tpu.memory_space<vmem>> -> memref<200x32xf32, #tpu.memory_space<vmem>>
      %dma_start3A_551 = arith.constant 0 : i32
      %dma_start3A_552 = arith.constant 0 : i32
      %dma_start3A_553 = tpu.memref_slice %arg4[%add3A_547, %dma_start3A_551, %dma_start3A_552] : memref<4096x200x32xf32, #tpu.memory_space<hbm>> -> memref<1x200x32xf32, #tpu.memory_space<hbm>>
      %dma_start3A_554 = tpu.memref_squeeze %dma_start3A_553 : memref<1x200x32xf32, #tpu.memory_space<hbm>> -> memref<200x32xf32, #tpu.memory_space<hbm>>
      %dma_start3A_555 = arith.constant 0 : i32
      %dma_start3A_556 = arith.constant 0 : i32
      %dma_start3A_557 = tpu.memref_slice %arg4[%add3A_547, %dma_start3A_555, %dma_start3A_556] : memref<4096x200x32xf32, #tpu.memory_space<hbm>> -> memref<1x200x32xf32, #tpu.memory_space<hbm>>
      %dma_start3A_558 = tpu.memref_squeeze %dma_start3A_557 : memref<1x200x32xf32, #tpu.memory_space<hbm>> -> memref<200x32xf32, #tpu.memory_space<hbm>>
      %dma_start3A_559 = arith.constant 0 : i32
      %dma_start3A_560 = arith.constant 0 : i32
      %dma_start3A_561 = tpu.memref_slice %arg7[%dma_start3A_559, %dma_start3A_560] : memref<1600x32xf32, #tpu.memory_space<vmem>> -> memref<200x32xf32, #tpu.memory_space<vmem>>
      tpu.enqueue_dma source(%dma_start3A_561 : memref<200x32xf32, #tpu.memory_space<vmem>>) target(%dma_start3A_558 : memref<200x32xf32, #tpu.memory_space<hbm>>) target_semaphore(%arg11 : memref<!tpu.dma_semaphore, #tpu.memory_space<semaphore_mem>>)
      %add3A_562 = arith.constant 1 : i32
      %add3A_563 = arith.addi %select_n3A_545, %add3A_562 : i32
      %dma_start3A_564 = arith.constant 200 : i32
      %dma_start3A_565 = arith.constant 0 : i32
      %dma_start3A_566 = tpu.memref_slice %arg7[%dma_start3A_564, %dma_start3A_565] : memref<1600x32xf32, #tpu.memory_space<vmem>> -> memref<200x32xf32, #tpu.memory_space<vmem>>
      %dma_start3A_567 = arith.constant 0 : i32
      %dma_start3A_568 = arith.constant 0 : i32
      %dma_start3A_569 = tpu.memref_slice %arg4[%add3A_563, %dma_start3A_567, %dma_start3A_568] : memref<4096x200x32xf32, #tpu.memory_space<hbm>> -> memref<1x200x32xf32, #tpu.memory_space<hbm>>
      %dma_start3A_570 = tpu.memref_squeeze %dma_start3A_569 : memref<1x200x32xf32, #tpu.memory_space<hbm>> -> memref<200x32xf32, #tpu.memory_space<hbm>>
      %dma_start3A_571 = arith.constant 0 : i32
      %dma_start3A_572 = arith.constant 0 : i32
      %dma_start3A_573 = tpu.memref_slice %arg4[%add3A_563, %dma_start3A_571, %dma_start3A_572] : memref<4096x200x32xf32, #tpu.memory_space<hbm>> -> memref<1x200x32xf32, #tpu.memory_space<hbm>>
      %dma_start3A_574 = tpu.memref_squeeze %dma_start3A_573 : memref<1x200x32xf32, #tpu.memory_space<hbm>> -> memref<200x32xf32, #tpu.memory_space<hbm>>
      %dma_start3A_575 = arith.constant 200 : i32
      %dma_start3A_576 = arith.constant 0 : i32
      %dma_start3A_577 = tpu.memref_slice %arg7[%dma_start3A_575, %dma_start3A_576] : memref<1600x32xf32, #tpu.memory_space<vmem>> -> memref<200x32xf32, #tpu.memory_space<vmem>>
      tpu.enqueue_dma source(%dma_start3A_577 : memref<200x32xf32, #tpu.memory_space<vmem>>) target(%dma_start3A_574 : memref<200x32xf32, #tpu.memory_space<hbm>>) target_semaphore(%arg11 : memref<!tpu.dma_semaphore, #tpu.memory_space<semaphore_mem>>)
      %add3A_578 = arith.constant 2 : i32
      %add3A_579 = arith.addi %select_n3A_545, %add3A_578 : i32
      %dma_start3A_580 = arith.constant 400 : i32
      %dma_start3A_581 = arith.constant 0 : i32
      %dma_start3A_582 = tpu.memref_slice %arg7[%dma_start3A_580, %dma_start3A_581] : memref<1600x32xf32, #tpu.memory_space<vmem>> -> memref<200x32xf32, #tpu.memory_space<vmem>>
      %dma_start3A_583 = arith.constant 0 : i32
      %dma_start3A_584 = arith.constant 0 : i32
      %dma_start3A_585 = tpu.memref_slice %arg4[%add3A_579, %dma_start3A_583, %dma_start3A_584] : memref<4096x200x32xf32, #tpu.memory_space<hbm>> -> memref<1x200x32xf32, #tpu.memory_space<hbm>>
      %dma_start3A_586 = tpu.memref_squeeze %dma_start3A_585 : memref<1x200x32xf32, #tpu.memory_space<hbm>> -> memref<200x32xf32, #tpu.memory_space<hbm>>
      %dma_start3A_587 = arith.constant 0 : i32
      %dma_start3A_588 = arith.constant 0 : i32
      %dma_start3A_589 = tpu.memref_slice %arg4[%add3A_579, %dma_start3A_587, %dma_start3A_588] : memref<4096x200x32xf32, #tpu.memory_space<hbm>> -> memref<1x200x32xf32, #tpu.memory_space<hbm>>
      %dma_start3A_590 = tpu.memref_squeeze %dma_start3A_589 : memref<1x200x32xf32, #tpu.memory_space<hbm>> -> memref<200x32xf32, #tpu.memory_space<hbm>>
      %dma_start3A_591 = arith.constant 400 : i32
      %dma_start3A_592 = arith.constant 0 : i32
      %dma_start3A_593 = tpu.memref_slice %arg7[%dma_start3A_591, %dma_start3A_592] : memref<1600x32xf32, #tpu.memory_space<vmem>> -> memref<200x32xf32, #tpu.memory_space<vmem>>
      tpu.enqueue_dma source(%dma_start3A_593 : memref<200x32xf32, #tpu.memory_space<vmem>>) target(%dma_start3A_590 : memref<200x32xf32, #tpu.memory_space<hbm>>) target_semaphore(%arg11 : memref<!tpu.dma_semaphore, #tpu.memory_space<semaphore_mem>>)
      %add3A_594 = arith.constant 3 : i32
      %add3A_595 = arith.addi %select_n3A_545, %add3A_594 : i32
      %dma_start3A_596 = arith.constant 600 : i32
      %dma_start3A_597 = arith.constant 0 : i32
      %dma_start3A_598 = tpu.memref_slice %arg7[%dma_start3A_596, %dma_start3A_597] : memref<1600x32xf32, #tpu.memory_space<vmem>> -> memref<200x32xf32, #tpu.memory_space<vmem>>
      %dma_start3A_599 = arith.constant 0 : i32
      %dma_start3A_600 = arith.constant 0 : i32
      %dma_start3A_601 = tpu.memref_slice %arg4[%add3A_595, %dma_start3A_599, %dma_start3A_600] : memref<4096x200x32xf32, #tpu.memory_space<hbm>> -> memref<1x200x32xf32, #tpu.memory_space<hbm>>
      %dma_start3A_602 = tpu.memref_squeeze %dma_start3A_601 : memref<1x200x32xf32, #tpu.memory_space<hbm>> -> memref<200x32xf32, #tpu.memory_space<hbm>>
      %dma_start3A_603 = arith.constant 0 : i32
      %dma_start3A_604 = arith.constant 0 : i32
      %dma_start3A_605 = tpu.memref_slice %arg4[%add3A_595, %dma_start3A_603, %dma_start3A_604] : memref<4096x200x32xf32, #tpu.memory_space<hbm>> -> memref<1x200x32xf32, #tpu.memory_space<hbm>>
      %dma_start3A_606 = tpu.memref_squeeze %dma_start3A_605 : memref<1x200x32xf32, #tpu.memory_space<hbm>> -> memref<200x32xf32, #tpu.memory_space<hbm>>
      %dma_start3A_607 = arith.constant 600 : i32
      %dma_start3A_608 = arith.constant 0 : i32
      %dma_start3A_609 = tpu.memref_slice %arg7[%dma_start3A_607, %dma_start3A_608] : memref<1600x32xf32, #tpu.memory_space<vmem>> -> memref<200x32xf32, #tpu.memory_space<vmem>>
      tpu.enqueue_dma source(%dma_start3A_609 : memref<200x32xf32, #tpu.memory_space<vmem>>) target(%dma_start3A_606 : memref<200x32xf32, #tpu.memory_space<hbm>>) target_semaphore(%arg11 : memref<!tpu.dma_semaphore, #tpu.memory_space<semaphore_mem>>)
      %add3A_610 = arith.constant 4 : i32
      %add3A_611 = arith.addi %select_n3A_545, %add3A_610 : i32
      %dma_start3A_612 = arith.constant 800 : i32
      %dma_start3A_613 = arith.constant 0 : i32
      %dma_start3A_614 = tpu.memref_slice %arg7[%dma_start3A_612, %dma_start3A_613] : memref<1600x32xf32, #tpu.memory_space<vmem>> -> memref<200x32xf32, #tpu.memory_space<vmem>>
      %dma_start3A_615 = arith.constant 0 : i32
      %dma_start3A_616 = arith.constant 0 : i32
      %dma_start3A_617 = tpu.memref_slice %arg4[%add3A_611, %dma_start3A_615, %dma_start3A_616] : memref<4096x200x32xf32, #tpu.memory_space<hbm>> -> memref<1x200x32xf32, #tpu.memory_space<hbm>>
      %dma_start3A_618 = tpu.memref_squeeze %dma_start3A_617 : memref<1x200x32xf32, #tpu.memory_space<hbm>> -> memref<200x32xf32, #tpu.memory_space<hbm>>
      %dma_start3A_619 = arith.constant 0 : i32
      %dma_start3A_620 = arith.constant 0 : i32
      %dma_start3A_621 = tpu.memref_slice %arg4[%add3A_611, %dma_start3A_619, %dma_start3A_620] : memref<4096x200x32xf32, #tpu.memory_space<hbm>> -> memref<1x200x32xf32, #tpu.memory_space<hbm>>
      %dma_start3A_622 = tpu.memref_squeeze %dma_start3A_621 : memref<1x200x32xf32, #tpu.memory_space<hbm>> -> memref<200x32xf32, #tpu.memory_space<hbm>>
      %dma_start3A_623 = arith.constant 800 : i32
      %dma_start3A_624 = arith.constant 0 : i32
      %dma_start3A_625 = tpu.memref_slice %arg7[%dma_start3A_623, %dma_start3A_624] : memref<1600x32xf32, #tpu.memory_space<vmem>> -> memref<200x32xf32, #tpu.memory_space<vmem>>
      tpu.enqueue_dma source(%dma_start3A_625 : memref<200x32xf32, #tpu.memory_space<vmem>>) target(%dma_start3A_622 : memref<200x32xf32, #tpu.memory_space<hbm>>) target_semaphore(%arg11 : memref<!tpu.dma_semaphore, #tpu.memory_space<semaphore_mem>>)
      %add3A_626 = arith.constant 5 : i32
      %add3A_627 = arith.addi %select_n3A_545, %add3A_626 : i32
      %dma_start3A_628 = arith.constant 1000 : i32
      %dma_start3A_629 = arith.constant 0 : i32
      %dma_start3A_630 = tpu.memref_slice %arg7[%dma_start3A_628, %dma_start3A_629] : memref<1600x32xf32, #tpu.memory_space<vmem>> -> memref<200x32xf32, #tpu.memory_space<vmem>>
      %dma_start3A_631 = arith.constant 0 : i32
      %dma_start3A_632 = arith.constant 0 : i32
      %dma_start3A_633 = tpu.memref_slice %arg4[%add3A_627, %dma_start3A_631, %dma_start3A_632] : memref<4096x200x32xf32, #tpu.memory_space<hbm>> -> memref<1x200x32xf32, #tpu.memory_space<hbm>>
      %dma_start3A_634 = tpu.memref_squeeze %dma_start3A_633 : memref<1x200x32xf32, #tpu.memory_space<hbm>> -> memref<200x32xf32, #tpu.memory_space<hbm>>
      %dma_start3A_635 = arith.constant 0 : i32
      %dma_start3A_636 = arith.constant 0 : i32
      %dma_start3A_637 = tpu.memref_slice %arg4[%add3A_627, %dma_start3A_635, %dma_start3A_636] : memref<4096x200x32xf32, #tpu.memory_space<hbm>> -> memref<1x200x32xf32, #tpu.memory_space<hbm>>
      %dma_start3A_638 = tpu.memref_squeeze %dma_start3A_637 : memref<1x200x32xf32, #tpu.memory_space<hbm>> -> memref<200x32xf32, #tpu.memory_space<hbm>>
      %dma_start3A_639 = arith.constant 1000 : i32
      %dma_start3A_640 = arith.constant 0 : i32
      %dma_start3A_641 = tpu.memref_slice %arg7[%dma_start3A_639, %dma_start3A_640] : memref<1600x32xf32, #tpu.memory_space<vmem>> -> memref<200x32xf32, #tpu.memory_space<vmem>>
      tpu.enqueue_dma source(%dma_start3A_641 : memref<200x32xf32, #tpu.memory_space<vmem>>) target(%dma_start3A_638 : memref<200x32xf32, #tpu.memory_space<hbm>>) target_semaphore(%arg11 : memref<!tpu.dma_semaphore, #tpu.memory_space<semaphore_mem>>)
      %add3A_642 = arith.constant 6 : i32
      %add3A_643 = arith.addi %select_n3A_545, %add3A_642 : i32
      %dma_start3A_644 = arith.constant 1200 : i32
      %dma_start3A_645 = arith.constant 0 : i32
      %dma_start3A_646 = tpu.memref_slice %arg7[%dma_start3A_644, %dma_start3A_645] : memref<1600x32xf32, #tpu.memory_space<vmem>> -> memref<200x32xf32, #tpu.memory_space<vmem>>
      %dma_start3A_647 = arith.constant 0 : i32
      %dma_start3A_648 = arith.constant 0 : i32
      %dma_start3A_649 = tpu.memref_slice %arg4[%add3A_643, %dma_start3A_647, %dma_start3A_648] : memref<4096x200x32xf32, #tpu.memory_space<hbm>> -> memref<1x200x32xf32, #tpu.memory_space<hbm>>
      %dma_start3A_650 = tpu.memref_squeeze %dma_start3A_649 : memref<1x200x32xf32, #tpu.memory_space<hbm>> -> memref<200x32xf32, #tpu.memory_space<hbm>>
      %dma_start3A_651 = arith.constant 0 : i32
      %dma_start3A_652 = arith.constant 0 : i32
      %dma_start3A_653 = tpu.memref_slice %arg4[%add3A_643, %dma_start3A_651, %dma_start3A_652] : memref<4096x200x32xf32, #tpu.memory_space<hbm>> -> memref<1x200x32xf32, #tpu.memory_space<hbm>>
      %dma_start3A_654 = tpu.memref_squeeze %dma_start3A_653 : memref<1x200x32xf32, #tpu.memory_space<hbm>> -> memref<200x32xf32, #tpu.memory_space<hbm>>
      %dma_start3A_655 = arith.constant 1200 : i32
      %dma_start3A_656 = arith.constant 0 : i32
      %dma_start3A_657 = tpu.memref_slice %arg7[%dma_start3A_655, %dma_start3A_656] : memref<1600x32xf32, #tpu.memory_space<vmem>> -> memref<200x32xf32, #tpu.memory_space<vmem>>
      tpu.enqueue_dma source(%dma_start3A_657 : memref<200x32xf32, #tpu.memory_space<vmem>>) target(%dma_start3A_654 : memref<200x32xf32, #tpu.memory_space<hbm>>) target_semaphore(%arg11 : memref<!tpu.dma_semaphore, #tpu.memory_space<semaphore_mem>>)
      %add3A_658 = arith.constant 7 : i32
      %add3A_659 = arith.addi %select_n3A_545, %add3A_658 : i32
      %dma_start3A_660 = arith.constant 1400 : i32
      %dma_start3A_661 = arith.constant 0 : i32
      %dma_start3A_662 = tpu.memref_slice %arg7[%dma_start3A_660, %dma_start3A_661] : memref<1600x32xf32, #tpu.memory_space<vmem>> -> memref<200x32xf32, #tpu.memory_space<vmem>>
      %dma_start3A_663 = arith.constant 0 : i32
      %dma_start3A_664 = arith.constant 0 : i32
      %dma_start3A_665 = tpu.memref_slice %arg4[%add3A_659, %dma_start3A_663, %dma_start3A_664] : memref<4096x200x32xf32, #tpu.memory_space<hbm>> -> memref<1x200x32xf32, #tpu.memory_space<hbm>>
      %dma_start3A_666 = tpu.memref_squeeze %dma_start3A_665 : memref<1x200x32xf32, #tpu.memory_space<hbm>> -> memref<200x32xf32, #tpu.memory_space<hbm>>
      %dma_start3A_667 = arith.constant 0 : i32
      %dma_start3A_668 = arith.constant 0 : i32
      %dma_start3A_669 = tpu.memref_slice %arg4[%add3A_659, %dma_start3A_667, %dma_start3A_668] : memref<4096x200x32xf32, #tpu.memory_space<hbm>> -> memref<1x200x32xf32, #tpu.memory_space<hbm>>
      %dma_start3A_670 = tpu.memref_squeeze %dma_start3A_669 : memref<1x200x32xf32, #tpu.memory_space<hbm>> -> memref<200x32xf32, #tpu.memory_space<hbm>>
      %dma_start3A_671 = arith.constant 1400 : i32
      %dma_start3A_672 = arith.constant 0 : i32
      %dma_start3A_673 = tpu.memref_slice %arg7[%dma_start3A_671, %dma_start3A_672] : memref<1600x32xf32, #tpu.memory_space<vmem>> -> memref<200x32xf32, #tpu.memory_space<vmem>>
      tpu.enqueue_dma source(%dma_start3A_673 : memref<200x32xf32, #tpu.memory_space<vmem>>) target(%dma_start3A_670 : memref<200x32xf32, #tpu.memory_space<hbm>>) target_semaphore(%arg11 : memref<!tpu.dma_semaphore, #tpu.memory_space<semaphore_mem>>)
      %scan3A_674 = arith.constant 0 : i32
      scf.yield %scan3A_674 : i32
    }
    %scan3A_26 = arith.constant 8 : i32
    %add3A_27 = arith.constant 22400 : i32
    %add3A_28 = arith.addi %mul3A_2, %add3A_27 : i32
    %jit3A = arith.constant 200 : i32
    %div3A = arith.divsi %add3A_28, %jit3A : i32
    %sign3A = arith.constant 0 : i32
    %sign3A_29 = arith.cmpi sgt, %add3A_28, %sign3A : i32
    %sign3A_30 = arith.extui %sign3A_29 : i1 to i32
    %sign3A_31 = arith.constant 0 : i32
    %sign3A_32 = arith.cmpi slt, %add3A_28, %sign3A_31 : i32
    %sign3A_33 = arith.extui %sign3A_32 : i1 to i32
    %sign3A_34 = arith.subi %sign3A_30, %sign3A_33 : i32
    %sign3A_35 = arith.constant 0 : i32
    %sign3A_36 = arith.cmpi sgt, %jit3A, %sign3A_35 : i32
    %sign3A_37 = arith.extui %sign3A_36 : i1 to i32
    %sign3A_38 = arith.constant 0 : i32
    %sign3A_39 = arith.cmpi slt, %jit3A, %sign3A_38 : i32
    %sign3A_40 = arith.extui %sign3A_39 : i1 to i32
    %sign3A_41 = arith.subi %sign3A_37, %sign3A_40 : i32
    %ne3A = arith.cmpi ne, %sign3A_34, %sign3A_41 : i32
    %rem3A = arith.remsi %add3A_28, %jit3A : i32
    %ne3A_42 = arith.constant 0 : i32
    %ne3A_43 = arith.cmpi ne, %rem3A, %ne3A_42 : i32
    %and3A = arith.andi %ne3A, %ne3A_43 : i1
    %sub3A = arith.constant 1 : i32
    %sub3A_44 = arith.subi %div3A, %sub3A : i32
    %select_n3A = arith.select %and3A, %sub3A_44, %div3A : i32
    %add3A_45 = arith.constant 0 : i32
    %add3A_46 = arith.addi %select_n3A, %add3A_45 : i32
    %dma_wait3A = arith.constant 0 : i32
    %dma_wait3A_47 = arith.constant 0 : i32
    %dma_wait3A_48 = tpu.memref_slice %arg6[%dma_wait3A, %dma_wait3A_47] : memref<1600x32xf32, #tpu.memory_space<vmem>> -> memref<200x32xf32, #tpu.memory_space<vmem>>
    %dma_wait3A_49 = arith.constant 0 : i32
    %dma_wait3A_50 = arith.constant 0 : i32
    %dma_wait3A_51 = tpu.memref_slice %arg4[%add3A_46, %dma_wait3A_49, %dma_wait3A_50] : memref<4096x200x32xf32, #tpu.memory_space<hbm>> -> memref<1x200x32xf32, #tpu.memory_space<hbm>>
    %dma_wait3A_52 = tpu.memref_squeeze %dma_wait3A_51 : memref<1x200x32xf32, #tpu.memory_space<hbm>> -> memref<200x32xf32, #tpu.memory_space<hbm>>
    %dma_wait3A_53 = arith.constant 0 : i32
    %dma_wait3A_54 = arith.constant 0 : i32
    %dma_wait3A_55 = tpu.memref_slice %arg4[%add3A_46, %dma_wait3A_53, %dma_wait3A_54] : memref<4096x200x32xf32, #tpu.memory_space<hbm>> -> memref<1x200x32xf32, #tpu.memory_space<hbm>>
    %dma_wait3A_56 = tpu.memref_squeeze %dma_wait3A_55 : memref<1x200x32xf32, #tpu.memory_space<hbm>> -> memref<200x32xf32, #tpu.memory_space<hbm>>
    %dma_wait3A_57 = arith.constant 0 : i32
    %dma_wait3A_58 = arith.constant 0 : i32
    %dma_wait3A_59 = tpu.memref_slice %arg6[%dma_wait3A_57, %dma_wait3A_58] : memref<1600x32xf32, #tpu.memory_space<vmem>> -> memref<200x32xf32, #tpu.memory_space<vmem>>
    tpu.wait_dma2 semaphore(%arg10 : memref<!tpu.dma_semaphore, #tpu.memory_space<semaphore_mem>>) src(%dma_wait3A_59 : memref<200x32xf32, #tpu.memory_space<vmem>>) dst(%dma_wait3A_56 : memref<200x32xf32, #tpu.memory_space<hbm>>)
    %add3A_60 = arith.constant 1 : i32
    %add3A_61 = arith.addi %select_n3A, %add3A_60 : i32
    %dma_wait3A_62 = arith.constant 200 : i32
    %dma_wait3A_63 = arith.constant 0 : i32
    %dma_wait3A_64 = tpu.memref_slice %arg6[%dma_wait3A_62, %dma_wait3A_63] : memref<1600x32xf32, #tpu.memory_space<vmem>> -> memref<200x32xf32, #tpu.memory_space<vmem>>
    %dma_wait3A_65 = arith.constant 0 : i32
    %dma_wait3A_66 = arith.constant 0 : i32
    %dma_wait3A_67 = tpu.memref_slice %arg4[%add3A_61, %dma_wait3A_65, %dma_wait3A_66] : memref<4096x200x32xf32, #tpu.memory_space<hbm>> -> memref<1x200x32xf32, #tpu.memory_space<hbm>>
    %dma_wait3A_68 = tpu.memref_squeeze %dma_wait3A_67 : memref<1x200x32xf32, #tpu.memory_space<hbm>> -> memref<200x32xf32, #tpu.memory_space<hbm>>
    %dma_wait3A_69 = arith.constant 0 : i32
    %dma_wait3A_70 = arith.constant 0 : i32
    %dma_wait3A_71 = tpu.memref_slice %arg4[%add3A_61, %dma_wait3A_69, %dma_wait3A_70] : memref<4096x200x32xf32, #tpu.memory_space<hbm>> -> memref<1x200x32xf32, #tpu.memory_space<hbm>>
    %dma_wait3A_72 = tpu.memref_squeeze %dma_wait3A_71 : memref<1x200x32xf32, #tpu.memory_space<hbm>> -> memref<200x32xf32, #tpu.memory_space<hbm>>
    %dma_wait3A_73 = arith.constant 200 : i32
    %dma_wait3A_74 = arith.constant 0 : i32
    %dma_wait3A_75 = tpu.memref_slice %arg6[%dma_wait3A_73, %dma_wait3A_74] : memref<1600x32xf32, #tpu.memory_space<vmem>> -> memref<200x32xf32, #tpu.memory_space<vmem>>
    tpu.wait_dma2 semaphore(%arg10 : memref<!tpu.dma_semaphore, #tpu.memory_space<semaphore_mem>>) src(%dma_wait3A_75 : memref<200x32xf32, #tpu.memory_space<vmem>>) dst(%dma_wait3A_72 : memref<200x32xf32, #tpu.memory_space<hbm>>)
    %add3A_76 = arith.constant 2 : i32
    %add3A_77 = arith.addi %select_n3A, %add3A_76 : i32
    %dma_wait3A_78 = arith.constant 400 : i32
    %dma_wait3A_79 = arith.constant 0 : i32
    %dma_wait3A_80 = tpu.memref_slice %arg6[%dma_wait3A_78, %dma_wait3A_79] : memref<1600x32xf32, #tpu.memory_space<vmem>> -> memref<200x32xf32, #tpu.memory_space<vmem>>
    %dma_wait3A_81 = arith.constant 0 : i32
    %dma_wait3A_82 = arith.constant 0 : i32
    %dma_wait3A_83 = tpu.memref_slice %arg4[%add3A_77, %dma_wait3A_81, %dma_wait3A_82] : memref<4096x200x32xf32, #tpu.memory_space<hbm>> -> memref<1x200x32xf32, #tpu.memory_space<hbm>>
    %dma_wait3A_84 = tpu.memref_squeeze %dma_wait3A_83 : memref<1x200x32xf32, #tpu.memory_space<hbm>> -> memref<200x32xf32, #tpu.memory_space<hbm>>
    %dma_wait3A_85 = arith.constant 0 : i32
    %dma_wait3A_86 = arith.constant 0 : i32
    %dma_wait3A_87 = tpu.memref_slice %arg4[%add3A_77, %dma_wait3A_85, %dma_wait3A_86] : memref<4096x200x32xf32, #tpu.memory_space<hbm>> -> memref<1x200x32xf32, #tpu.memory_space<hbm>>
    %dma_wait3A_88 = tpu.memref_squeeze %dma_wait3A_87 : memref<1x200x32xf32, #tpu.memory_space<hbm>> -> memref<200x32xf32, #tpu.memory_space<hbm>>
    %dma_wait3A_89 = arith.constant 400 : i32
    %dma_wait3A_90 = arith.constant 0 : i32
    %dma_wait3A_91 = tpu.memref_slice %arg6[%dma_wait3A_89, %dma_wait3A_90] : memref<1600x32xf32, #tpu.memory_space<vmem>> -> memref<200x32xf32, #tpu.memory_space<vmem>>
    tpu.wait_dma2 semaphore(%arg10 : memref<!tpu.dma_semaphore, #tpu.memory_space<semaphore_mem>>) src(%dma_wait3A_91 : memref<200x32xf32, #tpu.memory_space<vmem>>) dst(%dma_wait3A_88 : memref<200x32xf32, #tpu.memory_space<hbm>>)
    %add3A_92 = arith.constant 3 : i32
    %add3A_93 = arith.addi %select_n3A, %add3A_92 : i32
    %dma_wait3A_94 = arith.constant 600 : i32
    %dma_wait3A_95 = arith.constant 0 : i32
    %dma_wait3A_96 = tpu.memref_slice %arg6[%dma_wait3A_94, %dma_wait3A_95] : memref<1600x32xf32, #tpu.memory_space<vmem>> -> memref<200x32xf32, #tpu.memory_space<vmem>>
    %dma_wait3A_97 = arith.constant 0 : i32
    %dma_wait3A_98 = arith.constant 0 : i32
    %dma_wait3A_99 = tpu.memref_slice %arg4[%add3A_93, %dma_wait3A_97, %dma_wait3A_98] : memref<4096x200x32xf32, #tpu.memory_space<hbm>> -> memref<1x200x32xf32, #tpu.memory_space<hbm>>
    %dma_wait3A_100 = tpu.memref_squeeze %dma_wait3A_99 : memref<1x200x32xf32, #tpu.memory_space<hbm>> -> memref<200x32xf32, #tpu.memory_space<hbm>>
    %dma_wait3A_101 = arith.constant 0 : i32
    %dma_wait3A_102 = arith.constant 0 : i32
    %dma_wait3A_103 = tpu.memref_slice %arg4[%add3A_93, %dma_wait3A_101, %dma_wait3A_102] : memref<4096x200x32xf32, #tpu.memory_space<hbm>> -> memref<1x200x32xf32, #tpu.memory_space<hbm>>
    %dma_wait3A_104 = tpu.memref_squeeze %dma_wait3A_103 : memref<1x200x32xf32, #tpu.memory_space<hbm>> -> memref<200x32xf32, #tpu.memory_space<hbm>>
    %dma_wait3A_105 = arith.constant 600 : i32
    %dma_wait3A_106 = arith.constant 0 : i32
    %dma_wait3A_107 = tpu.memref_slice %arg6[%dma_wait3A_105, %dma_wait3A_106] : memref<1600x32xf32, #tpu.memory_space<vmem>> -> memref<200x32xf32, #tpu.memory_space<vmem>>
    tpu.wait_dma2 semaphore(%arg10 : memref<!tpu.dma_semaphore, #tpu.memory_space<semaphore_mem>>) src(%dma_wait3A_107 : memref<200x32xf32, #tpu.memory_space<vmem>>) dst(%dma_wait3A_104 : memref<200x32xf32, #tpu.memory_space<hbm>>)
    %add3A_108 = arith.constant 4 : i32
    %add3A_109 = arith.addi %select_n3A, %add3A_108 : i32
    %dma_wait3A_110 = arith.constant 800 : i32
    %dma_wait3A_111 = arith.constant 0 : i32
    %dma_wait3A_112 = tpu.memref_slice %arg6[%dma_wait3A_110, %dma_wait3A_111] : memref<1600x32xf32, #tpu.memory_space<vmem>> -> memref<200x32xf32, #tpu.memory_space<vmem>>
    %dma_wait3A_113 = arith.constant 0 : i32
    %dma_wait3A_114 = arith.constant 0 : i32
    %dma_wait3A_115 = tpu.memref_slice %arg4[%add3A_109, %dma_wait3A_113, %dma_wait3A_114] : memref<4096x200x32xf32, #tpu.memory_space<hbm>> -> memref<1x200x32xf32, #tpu.memory_space<hbm>>
    %dma_wait3A_116 = tpu.memref_squeeze %dma_wait3A_115 : memref<1x200x32xf32, #tpu.memory_space<hbm>> -> memref<200x32xf32, #tpu.memory_space<hbm>>
    %dma_wait3A_117 = arith.constant 0 : i32
    %dma_wait3A_118 = arith.constant 0 : i32
    %dma_wait3A_119 = tpu.memref_slice %arg4[%add3A_109, %dma_wait3A_117, %dma_wait3A_118] : memref<4096x200x32xf32, #tpu.memory_space<hbm>> -> memref<1x200x32xf32, #tpu.memory_space<hbm>>
    %dma_wait3A_120 = tpu.memref_squeeze %dma_wait3A_119 : memref<1x200x32xf32, #tpu.memory_space<hbm>> -> memref<200x32xf32, #tpu.memory_space<hbm>>
    %dma_wait3A_121 = arith.constant 800 : i32
    %dma_wait3A_122 = arith.constant 0 : i32
    %dma_wait3A_123 = tpu.memref_slice %arg6[%dma_wait3A_121, %dma_wait3A_122] : memref<1600x32xf32, #tpu.memory_space<vmem>> -> memref<200x32xf32, #tpu.memory_space<vmem>>
    tpu.wait_dma2 semaphore(%arg10 : memref<!tpu.dma_semaphore, #tpu.memory_space<semaphore_mem>>) src(%dma_wait3A_123 : memref<200x32xf32, #tpu.memory_space<vmem>>) dst(%dma_wait3A_120 : memref<200x32xf32, #tpu.memory_space<hbm>>)
    %add3A_124 = arith.constant 5 : i32
    %add3A_125 = arith.addi %select_n3A, %add3A_124 : i32
    %dma_wait3A_126 = arith.constant 1000 : i32
    %dma_wait3A_127 = arith.constant 0 : i32
    %dma_wait3A_128 = tpu.memref_slice %arg6[%dma_wait3A_126, %dma_wait3A_127] : memref<1600x32xf32, #tpu.memory_space<vmem>> -> memref<200x32xf32, #tpu.memory_space<vmem>>
    %dma_wait3A_129 = arith.constant 0 : i32
    %dma_wait3A_130 = arith.constant 0 : i32
    %dma_wait3A_131 = tpu.memref_slice %arg4[%add3A_125, %dma_wait3A_129, %dma_wait3A_130] : memref<4096x200x32xf32, #tpu.memory_space<hbm>> -> memref<1x200x32xf32, #tpu.memory_space<hbm>>
    %dma_wait3A_132 = tpu.memref_squeeze %dma_wait3A_131 : memref<1x200x32xf32, #tpu.memory_space<hbm>> -> memref<200x32xf32, #tpu.memory_space<hbm>>
    %dma_wait3A_133 = arith.constant 0 : i32
    %dma_wait3A_134 = arith.constant 0 : i32
    %dma_wait3A_135 = tpu.memref_slice %arg4[%add3A_125, %dma_wait3A_133, %dma_wait3A_134] : memref<4096x200x32xf32, #tpu.memory_space<hbm>> -> memref<1x200x32xf32, #tpu.memory_space<hbm>>
    %dma_wait3A_136 = tpu.memref_squeeze %dma_wait3A_135 : memref<1x200x32xf32, #tpu.memory_space<hbm>> -> memref<200x32xf32, #tpu.memory_space<hbm>>
    %dma_wait3A_137 = arith.constant 1000 : i32
    %dma_wait3A_138 = arith.constant 0 : i32
    %dma_wait3A_139 = tpu.memref_slice %arg6[%dma_wait3A_137, %dma_wait3A_138] : memref<1600x32xf32, #tpu.memory_space<vmem>> -> memref<200x32xf32, #tpu.memory_space<vmem>>
    tpu.wait_dma2 semaphore(%arg10 : memref<!tpu.dma_semaphore, #tpu.memory_space<semaphore_mem>>) src(%dma_wait3A_139 : memref<200x32xf32, #tpu.memory_space<vmem>>) dst(%dma_wait3A_136 : memref<200x32xf32, #tpu.memory_space<hbm>>)
    %add3A_140 = arith.constant 6 : i32
    %add3A_141 = arith.addi %select_n3A, %add3A_140 : i32
    %dma_wait3A_142 = arith.constant 1200 : i32
    %dma_wait3A_143 = arith.constant 0 : i32
    %dma_wait3A_144 = tpu.memref_slice %arg6[%dma_wait3A_142, %dma_wait3A_143] : memref<1600x32xf32, #tpu.memory_space<vmem>> -> memref<200x32xf32, #tpu.memory_space<vmem>>
    %dma_wait3A_145 = arith.constant 0 : i32
    %dma_wait3A_146 = arith.constant 0 : i32
    %dma_wait3A_147 = tpu.memref_slice %arg4[%add3A_141, %dma_wait3A_145, %dma_wait3A_146] : memref<4096x200x32xf32, #tpu.memory_space<hbm>> -> memref<1x200x32xf32, #tpu.memory_space<hbm>>
    %dma_wait3A_148 = tpu.memref_squeeze %dma_wait3A_147 : memref<1x200x32xf32, #tpu.memory_space<hbm>> -> memref<200x32xf32, #tpu.memory_space<hbm>>
    %dma_wait3A_149 = arith.constant 0 : i32
    %dma_wait3A_150 = arith.constant 0 : i32
    %dma_wait3A_151 = tpu.memref_slice %arg4[%add3A_141, %dma_wait3A_149, %dma_wait3A_150] : memref<4096x200x32xf32, #tpu.memory_space<hbm>> -> memref<1x200x32xf32, #tpu.memory_space<hbm>>
    %dma_wait3A_152 = tpu.memref_squeeze %dma_wait3A_151 : memref<1x200x32xf32, #tpu.memory_space<hbm>> -> memref<200x32xf32, #tpu.memory_space<hbm>>
    %dma_wait3A_153 = arith.constant 1200 : i32
    %dma_wait3A_154 = arith.constant 0 : i32
    %dma_wait3A_155 = tpu.memref_slice %arg6[%dma_wait3A_153, %dma_wait3A_154] : memref<1600x32xf32, #tpu.memory_space<vmem>> -> memref<200x32xf32, #tpu.memory_space<vmem>>
    tpu.wait_dma2 semaphore(%arg10 : memref<!tpu.dma_semaphore, #tpu.memory_space<semaphore_mem>>) src(%dma_wait3A_155 : memref<200x32xf32, #tpu.memory_space<vmem>>) dst(%dma_wait3A_152 : memref<200x32xf32, #tpu.memory_space<hbm>>)
    %add3A_156 = arith.constant 7 : i32
    %add3A_157 = arith.addi %select_n3A, %add3A_156 : i32
    %dma_wait3A_158 = arith.constant 1400 : i32
    %dma_wait3A_159 = arith.constant 0 : i32
    %dma_wait3A_160 = tpu.memref_slice %arg6[%dma_wait3A_158, %dma_wait3A_159] : memref<1600x32xf32, #tpu.memory_space<vmem>> -> memref<200x32xf32, #tpu.memory_space<vmem>>
    %dma_wait3A_161 = arith.constant 0 : i32
    %dma_wait3A_162 = arith.constant 0 : i32
    %dma_wait3A_163 = tpu.memref_slice %arg4[%add3A_157, %dma_wait3A_161, %dma_wait3A_162] : memref<4096x200x32xf32, #tpu.memory_space<hbm>> -> memref<1x200x32xf32, #tpu.memory_space<hbm>>
    %dma_wait3A_164 = tpu.memref_squeeze %dma_wait3A_163 : memref<1x200x32xf32, #tpu.memory_space<hbm>> -> memref<200x32xf32, #tpu.memory_space<hbm>>
    %dma_wait3A_165 = arith.constant 0 : i32
    %dma_wait3A_166 = arith.constant 0 : i32
    %dma_wait3A_167 = tpu.memref_slice %arg4[%add3A_157, %dma_wait3A_165, %dma_wait3A_166] : memref<4096x200x32xf32, #tpu.memory_space<hbm>> -> memref<1x200x32xf32, #tpu.memory_space<hbm>>
    %dma_wait3A_168 = tpu.memref_squeeze %dma_wait3A_167 : memref<1x200x32xf32, #tpu.memory_space<hbm>> -> memref<200x32xf32, #tpu.memory_space<hbm>>
    %dma_wait3A_169 = arith.constant 1400 : i32
    %dma_wait3A_170 = arith.constant 0 : i32
    %dma_wait3A_171 = tpu.memref_slice %arg6[%dma_wait3A_169, %dma_wait3A_170] : memref<1600x32xf32, #tpu.memory_space<vmem>> -> memref<200x32xf32, #tpu.memory_space<vmem>>
    tpu.wait_dma2 semaphore(%arg10 : memref<!tpu.dma_semaphore, #tpu.memory_space<semaphore_mem>>) src(%dma_wait3A_171 : memref<200x32xf32, #tpu.memory_space<vmem>>) dst(%dma_wait3A_168 : memref<200x32xf32, #tpu.memory_space<hbm>>)
    %add3A_172 = arith.constant 24000 : i32
    %add3A_173 = arith.addi %mul3A_2, %add3A_172 : i32
    %jit3A_174 = arith.constant 200 : i32
    %div3A_175 = arith.divsi %add3A_173, %jit3A_174 : i32
    %sign3A_176 = arith.constant 0 : i32
    %sign3A_177 = arith.cmpi sgt, %add3A_173, %sign3A_176 : i32
    %sign3A_178 = arith.extui %sign3A_177 : i1 to i32
    %sign3A_179 = arith.constant 0 : i32
    %sign3A_180 = arith.cmpi slt, %add3A_173, %sign3A_179 : i32
    %sign3A_181 = arith.extui %sign3A_180 : i1 to i32
    %sign3A_182 = arith.subi %sign3A_178, %sign3A_181 : i32
    %sign3A_183 = arith.constant 0 : i32
    %sign3A_184 = arith.cmpi sgt, %jit3A_174, %sign3A_183 : i32
    %sign3A_185 = arith.extui %sign3A_184 : i1 to i32
    %sign3A_186 = arith.constant 0 : i32
    %sign3A_187 = arith.cmpi slt, %jit3A_174, %sign3A_186 : i32
    %sign3A_188 = arith.extui %sign3A_187 : i1 to i32
    %sign3A_189 = arith.subi %sign3A_185, %sign3A_188 : i32
    %ne3A_190 = arith.cmpi ne, %sign3A_182, %sign3A_189 : i32
    %rem3A_191 = arith.remsi %add3A_173, %jit3A_174 : i32
    %ne3A_192 = arith.constant 0 : i32
    %ne3A_193 = arith.cmpi ne, %rem3A_191, %ne3A_192 : i32
    %and3A_194 = arith.andi %ne3A_190, %ne3A_193 : i1
    %sub3A_195 = arith.constant 1 : i32
    %sub3A_196 = arith.subi %div3A_175, %sub3A_195 : i32
    %select_n3A_197 = arith.select %and3A_194, %sub3A_196, %div3A_175 : i32
    %add3A_198 = arith.constant 0 : i32
    %add3A_199 = arith.addi %select_n3A_197, %add3A_198 : i32
    %dma_wait3A_200 = arith.constant 0 : i32
    %dma_wait3A_201 = arith.constant 0 : i32
    %dma_wait3A_202 = tpu.memref_slice %arg7[%dma_wait3A_200, %dma_wait3A_201] : memref<1600x32xf32, #tpu.memory_space<vmem>> -> memref<200x32xf32, #tpu.memory_space<vmem>>
    %dma_wait3A_203 = arith.constant 0 : i32
    %dma_wait3A_204 = arith.constant 0 : i32
    %dma_wait3A_205 = tpu.memref_slice %arg4[%add3A_199, %dma_wait3A_203, %dma_wait3A_204] : memref<4096x200x32xf32, #tpu.memory_space<hbm>> -> memref<1x200x32xf32, #tpu.memory_space<hbm>>
    %dma_wait3A_206 = tpu.memref_squeeze %dma_wait3A_205 : memref<1x200x32xf32, #tpu.memory_space<hbm>> -> memref<200x32xf32, #tpu.memory_space<hbm>>
    %dma_wait3A_207 = arith.constant 0 : i32
    %dma_wait3A_208 = arith.constant 0 : i32
    %dma_wait3A_209 = tpu.memref_slice %arg4[%add3A_199, %dma_wait3A_207, %dma_wait3A_208] : memref<4096x200x32xf32, #tpu.memory_space<hbm>> -> memref<1x200x32xf32, #tpu.memory_space<hbm>>
    %dma_wait3A_210 = tpu.memref_squeeze %dma_wait3A_209 : memref<1x200x32xf32, #tpu.memory_space<hbm>> -> memref<200x32xf32, #tpu.memory_space<hbm>>
    %dma_wait3A_211 = arith.constant 0 : i32
    %dma_wait3A_212 = arith.constant 0 : i32
    %dma_wait3A_213 = tpu.memref_slice %arg7[%dma_wait3A_211, %dma_wait3A_212] : memref<1600x32xf32, #tpu.memory_space<vmem>> -> memref<200x32xf32, #tpu.memory_space<vmem>>
    tpu.wait_dma2 semaphore(%arg11 : memref<!tpu.dma_semaphore, #tpu.memory_space<semaphore_mem>>) src(%dma_wait3A_213 : memref<200x32xf32, #tpu.memory_space<vmem>>) dst(%dma_wait3A_210 : memref<200x32xf32, #tpu.memory_space<hbm>>)
    %add3A_214 = arith.constant 1 : i32
    %add3A_215 = arith.addi %select_n3A_197, %add3A_214 : i32
    %dma_wait3A_216 = arith.constant 200 : i32
    %dma_wait3A_217 = arith.constant 0 : i32
    %dma_wait3A_218 = tpu.memref_slice %arg7[%dma_wait3A_216, %dma_wait3A_217] : memref<1600x32xf32, #tpu.memory_space<vmem>> -> memref<200x32xf32, #tpu.memory_space<vmem>>
    %dma_wait3A_219 = arith.constant 0 : i32
    %dma_wait3A_220 = arith.constant 0 : i32
    %dma_wait3A_221 = tpu.memref_slice %arg4[%add3A_215, %dma_wait3A_219, %dma_wait3A_220] : memref<4096x200x32xf32, #tpu.memory_space<hbm>> -> memref<1x200x32xf32, #tpu.memory_space<hbm>>
    %dma_wait3A_222 = tpu.memref_squeeze %dma_wait3A_221 : memref<1x200x32xf32, #tpu.memory_space<hbm>> -> memref<200x32xf32, #tpu.memory_space<hbm>>
    %dma_wait3A_223 = arith.constant 0 : i32
    %dma_wait3A_224 = arith.constant 0 : i32
    %dma_wait3A_225 = tpu.memref_slice %arg4[%add3A_215, %dma_wait3A_223, %dma_wait3A_224] : memref<4096x200x32xf32, #tpu.memory_space<hbm>> -> memref<1x200x32xf32, #tpu.memory_space<hbm>>
    %dma_wait3A_226 = tpu.memref_squeeze %dma_wait3A_225 : memref<1x200x32xf32, #tpu.memory_space<hbm>> -> memref<200x32xf32, #tpu.memory_space<hbm>>
    %dma_wait3A_227 = arith.constant 200 : i32
    %dma_wait3A_228 = arith.constant 0 : i32
    %dma_wait3A_229 = tpu.memref_slice %arg7[%dma_wait3A_227, %dma_wait3A_228] : memref<1600x32xf32, #tpu.memory_space<vmem>> -> memref<200x32xf32, #tpu.memory_space<vmem>>
    tpu.wait_dma2 semaphore(%arg11 : memref<!tpu.dma_semaphore, #tpu.memory_space<semaphore_mem>>) src(%dma_wait3A_229 : memref<200x32xf32, #tpu.memory_space<vmem>>) dst(%dma_wait3A_226 : memref<200x32xf32, #tpu.memory_space<hbm>>)
    %add3A_230 = arith.constant 2 : i32
    %add3A_231 = arith.addi %select_n3A_197, %add3A_230 : i32
    %dma_wait3A_232 = arith.constant 400 : i32
    %dma_wait3A_233 = arith.constant 0 : i32
    %dma_wait3A_234 = tpu.memref_slice %arg7[%dma_wait3A_232, %dma_wait3A_233] : memref<1600x32xf32, #tpu.memory_space<vmem>> -> memref<200x32xf32, #tpu.memory_space<vmem>>
    %dma_wait3A_235 = arith.constant 0 : i32
    %dma_wait3A_236 = arith.constant 0 : i32
    %dma_wait3A_237 = tpu.memref_slice %arg4[%add3A_231, %dma_wait3A_235, %dma_wait3A_236] : memref<4096x200x32xf32, #tpu.memory_space<hbm>> -> memref<1x200x32xf32, #tpu.memory_space<hbm>>
    %dma_wait3A_238 = tpu.memref_squeeze %dma_wait3A_237 : memref<1x200x32xf32, #tpu.memory_space<hbm>> -> memref<200x32xf32, #tpu.memory_space<hbm>>
    %dma_wait3A_239 = arith.constant 0 : i32
    %dma_wait3A_240 = arith.constant 0 : i32
    %dma_wait3A_241 = tpu.memref_slice %arg4[%add3A_231, %dma_wait3A_239, %dma_wait3A_240] : memref<4096x200x32xf32, #tpu.memory_space<hbm>> -> memref<1x200x32xf32, #tpu.memory_space<hbm>>
    %dma_wait3A_242 = tpu.memref_squeeze %dma_wait3A_241 : memref<1x200x32xf32, #tpu.memory_space<hbm>> -> memref<200x32xf32, #tpu.memory_space<hbm>>
    %dma_wait3A_243 = arith.constant 400 : i32
    %dma_wait3A_244 = arith.constant 0 : i32
    %dma_wait3A_245 = tpu.memref_slice %arg7[%dma_wait3A_243, %dma_wait3A_244] : memref<1600x32xf32, #tpu.memory_space<vmem>> -> memref<200x32xf32, #tpu.memory_space<vmem>>
    tpu.wait_dma2 semaphore(%arg11 : memref<!tpu.dma_semaphore, #tpu.memory_space<semaphore_mem>>) src(%dma_wait3A_245 : memref<200x32xf32, #tpu.memory_space<vmem>>) dst(%dma_wait3A_242 : memref<200x32xf32, #tpu.memory_space<hbm>>)
    %add3A_246 = arith.constant 3 : i32
    %add3A_247 = arith.addi %select_n3A_197, %add3A_246 : i32
    %dma_wait3A_248 = arith.constant 600 : i32
    %dma_wait3A_249 = arith.constant 0 : i32
    %dma_wait3A_250 = tpu.memref_slice %arg7[%dma_wait3A_248, %dma_wait3A_249] : memref<1600x32xf32, #tpu.memory_space<vmem>> -> memref<200x32xf32, #tpu.memory_space<vmem>>
    %dma_wait3A_251 = arith.constant 0 : i32
    %dma_wait3A_252 = arith.constant 0 : i32
    %dma_wait3A_253 = tpu.memref_slice %arg4[%add3A_247, %dma_wait3A_251, %dma_wait3A_252] : memref<4096x200x32xf32, #tpu.memory_space<hbm>> -> memref<1x200x32xf32, #tpu.memory_space<hbm>>
    %dma_wait3A_254 = tpu.memref_squeeze %dma_wait3A_253 : memref<1x200x32xf32, #tpu.memory_space<hbm>> -> memref<200x32xf32, #tpu.memory_space<hbm>>
    %dma_wait3A_255 = arith.constant 0 : i32
    %dma_wait3A_256 = arith.constant 0 : i32
    %dma_wait3A_257 = tpu.memref_slice %arg4[%add3A_247, %dma_wait3A_255, %dma_wait3A_256] : memref<4096x200x32xf32, #tpu.memory_space<hbm>> -> memref<1x200x32xf32, #tpu.memory_space<hbm>>
    %dma_wait3A_258 = tpu.memref_squeeze %dma_wait3A_257 : memref<1x200x32xf32, #tpu.memory_space<hbm>> -> memref<200x32xf32, #tpu.memory_space<hbm>>
    %dma_wait3A_259 = arith.constant 600 : i32
    %dma_wait3A_260 = arith.constant 0 : i32
    %dma_wait3A_261 = tpu.memref_slice %arg7[%dma_wait3A_259, %dma_wait3A_260] : memref<1600x32xf32, #tpu.memory_space<vmem>> -> memref<200x32xf32, #tpu.memory_space<vmem>>
    tpu.wait_dma2 semaphore(%arg11 : memref<!tpu.dma_semaphore, #tpu.memory_space<semaphore_mem>>) src(%dma_wait3A_261 : memref<200x32xf32, #tpu.memory_space<vmem>>) dst(%dma_wait3A_258 : memref<200x32xf32, #tpu.memory_space<hbm>>)
    %add3A_262 = arith.constant 4 : i32
    %add3A_263 = arith.addi %select_n3A_197, %add3A_262 : i32
    %dma_wait3A_264 = arith.constant 800 : i32
    %dma_wait3A_265 = arith.constant 0 : i32
    %dma_wait3A_266 = tpu.memref_slice %arg7[%dma_wait3A_264, %dma_wait3A_265] : memref<1600x32xf32, #tpu.memory_space<vmem>> -> memref<200x32xf32, #tpu.memory_space<vmem>>
    %dma_wait3A_267 = arith.constant 0 : i32
    %dma_wait3A_268 = arith.constant 0 : i32
    %dma_wait3A_269 = tpu.memref_slice %arg4[%add3A_263, %dma_wait3A_267, %dma_wait3A_268] : memref<4096x200x32xf32, #tpu.memory_space<hbm>> -> memref<1x200x32xf32, #tpu.memory_space<hbm>>
    %dma_wait3A_270 = tpu.memref_squeeze %dma_wait3A_269 : memref<1x200x32xf32, #tpu.memory_space<hbm>> -> memref<200x32xf32, #tpu.memory_space<hbm>>
    %dma_wait3A_271 = arith.constant 0 : i32
    %dma_wait3A_272 = arith.constant 0 : i32
    %dma_wait3A_273 = tpu.memref_slice %arg4[%add3A_263, %dma_wait3A_271, %dma_wait3A_272] : memref<4096x200x32xf32, #tpu.memory_space<hbm>> -> memref<1x200x32xf32, #tpu.memory_space<hbm>>
    %dma_wait3A_274 = tpu.memref_squeeze %dma_wait3A_273 : memref<1x200x32xf32, #tpu.memory_space<hbm>> -> memref<200x32xf32, #tpu.memory_space<hbm>>
    %dma_wait3A_275 = arith.constant 800 : i32
    %dma_wait3A_276 = arith.constant 0 : i32
    %dma_wait3A_277 = tpu.memref_slice %arg7[%dma_wait3A_275, %dma_wait3A_276] : memref<1600x32xf32, #tpu.memory_space<vmem>> -> memref<200x32xf32, #tpu.memory_space<vmem>>
    tpu.wait_dma2 semaphore(%arg11 : memref<!tpu.dma_semaphore, #tpu.memory_space<semaphore_mem>>) src(%dma_wait3A_277 : memref<200x32xf32, #tpu.memory_space<vmem>>) dst(%dma_wait3A_274 : memref<200x32xf32, #tpu.memory_space<hbm>>)
    %add3A_278 = arith.constant 5 : i32
    %add3A_279 = arith.addi %select_n3A_197, %add3A_278 : i32
    %dma_wait3A_280 = arith.constant 1000 : i32
    %dma_wait3A_281 = arith.constant 0 : i32
    %dma_wait3A_282 = tpu.memref_slice %arg7[%dma_wait3A_280, %dma_wait3A_281] : memref<1600x32xf32, #tpu.memory_space<vmem>> -> memref<200x32xf32, #tpu.memory_space<vmem>>
    %dma_wait3A_283 = arith.constant 0 : i32
    %dma_wait3A_284 = arith.constant 0 : i32
    %dma_wait3A_285 = tpu.memref_slice %arg4[%add3A_279, %dma_wait3A_283, %dma_wait3A_284] : memref<4096x200x32xf32, #tpu.memory_space<hbm>> -> memref<1x200x32xf32, #tpu.memory_space<hbm>>
    %dma_wait3A_286 = tpu.memref_squeeze %dma_wait3A_285 : memref<1x200x32xf32, #tpu.memory_space<hbm>> -> memref<200x32xf32, #tpu.memory_space<hbm>>
    %dma_wait3A_287 = arith.constant 0 : i32
    %dma_wait3A_288 = arith.constant 0 : i32
    %dma_wait3A_289 = tpu.memref_slice %arg4[%add3A_279, %dma_wait3A_287, %dma_wait3A_288] : memref<4096x200x32xf32, #tpu.memory_space<hbm>> -> memref<1x200x32xf32, #tpu.memory_space<hbm>>
    %dma_wait3A_290 = tpu.memref_squeeze %dma_wait3A_289 : memref<1x200x32xf32, #tpu.memory_space<hbm>> -> memref<200x32xf32, #tpu.memory_space<hbm>>
    %dma_wait3A_291 = arith.constant 1000 : i32
    %dma_wait3A_292 = arith.constant 0 : i32
    %dma_wait3A_293 = tpu.memref_slice %arg7[%dma_wait3A_291, %dma_wait3A_292] : memref<1600x32xf32, #tpu.memory_space<vmem>> -> memref<200x32xf32, #tpu.memory_space<vmem>>
    tpu.wait_dma2 semaphore(%arg11 : memref<!tpu.dma_semaphore, #tpu.memory_space<semaphore_mem>>) src(%dma_wait3A_293 : memref<200x32xf32, #tpu.memory_space<vmem>>) dst(%dma_wait3A_290 : memref<200x32xf32, #tpu.memory_space<hbm>>)
    %add3A_294 = arith.constant 6 : i32
    %add3A_295 = arith.addi %select_n3A_197, %add3A_294 : i32
    %dma_wait3A_296 = arith.constant 1200 : i32
    %dma_wait3A_297 = arith.constant 0 : i32
    %dma_wait3A_298 = tpu.memref_slice %arg7[%dma_wait3A_296, %dma_wait3A_297] : memref<1600x32xf32, #tpu.memory_space<vmem>> -> memref<200x32xf32, #tpu.memory_space<vmem>>
    %dma_wait3A_299 = arith.constant 0 : i32
    %dma_wait3A_300 = arith.constant 0 : i32
    %dma_wait3A_301 = tpu.memref_slice %arg4[%add3A_295, %dma_wait3A_299, %dma_wait3A_300] : memref<4096x200x32xf32, #tpu.memory_space<hbm>> -> memref<1x200x32xf32, #tpu.memory_space<hbm>>
    %dma_wait3A_302 = tpu.memref_squeeze %dma_wait3A_301 : memref<1x200x32xf32, #tpu.memory_space<hbm>> -> memref<200x32xf32, #tpu.memory_space<hbm>>
    %dma_wait3A_303 = arith.constant 0 : i32
    %dma_wait3A_304 = arith.constant 0 : i32
    %dma_wait3A_305 = tpu.memref_slice %arg4[%add3A_295, %dma_wait3A_303, %dma_wait3A_304] : memref<4096x200x32xf32, #tpu.memory_space<hbm>> -> memref<1x200x32xf32, #tpu.memory_space<hbm>>
    %dma_wait3A_306 = tpu.memref_squeeze %dma_wait3A_305 : memref<1x200x32xf32, #tpu.memory_space<hbm>> -> memref<200x32xf32, #tpu.memory_space<hbm>>
    %dma_wait3A_307 = arith.constant 1200 : i32
    %dma_wait3A_308 = arith.constant 0 : i32
    %dma_wait3A_309 = tpu.memref_slice %arg7[%dma_wait3A_307, %dma_wait3A_308] : memref<1600x32xf32, #tpu.memory_space<vmem>> -> memref<200x32xf32, #tpu.memory_space<vmem>>
    tpu.wait_dma2 semaphore(%arg11 : memref<!tpu.dma_semaphore, #tpu.memory_space<semaphore_mem>>) src(%dma_wait3A_309 : memref<200x32xf32, #tpu.memory_space<vmem>>) dst(%dma_wait3A_306 : memref<200x32xf32, #tpu.memory_space<hbm>>)
    %add3A_310 = arith.constant 7 : i32
    %add3A_311 = arith.addi %select_n3A_197, %add3A_310 : i32
    %dma_wait3A_312 = arith.constant 1400 : i32
    %dma_wait3A_313 = arith.constant 0 : i32
    %dma_wait3A_314 = tpu.memref_slice %arg7[%dma_wait3A_312, %dma_wait3A_313] : memref<1600x32xf32, #tpu.memory_space<vmem>> -> memref<200x32xf32, #tpu.memory_space<vmem>>
    %dma_wait3A_315 = arith.constant 0 : i32
    %dma_wait3A_316 = arith.constant 0 : i32
    %dma_wait3A_317 = tpu.memref_slice %arg4[%add3A_311, %dma_wait3A_315, %dma_wait3A_316] : memref<4096x200x32xf32, #tpu.memory_space<hbm>> -> memref<1x200x32xf32, #tpu.memory_space<hbm>>
    %dma_wait3A_318 = tpu.memref_squeeze %dma_wait3A_317 : memref<1x200x32xf32, #tpu.memory_space<hbm>> -> memref<200x32xf32, #tpu.memory_space<hbm>>
    %dma_wait3A_319 = arith.constant 0 : i32
    %dma_wait3A_320 = arith.constant 0 : i32
    %dma_wait3A_321 = tpu.memref_slice %arg4[%add3A_311, %dma_wait3A_319, %dma_wait3A_320] : memref<4096x200x32xf32, #tpu.memory_space<hbm>> -> memref<1x200x32xf32, #tpu.memory_space<hbm>>
    %dma_wait3A_322 = tpu.memref_squeeze %dma_wait3A_321 : memref<1x200x32xf32, #tpu.memory_space<hbm>> -> memref<200x32xf32, #tpu.memory_space<hbm>>
    %dma_wait3A_323 = arith.constant 1400 : i32
    %dma_wait3A_324 = arith.constant 0 : i32
    %dma_wait3A_325 = tpu.memref_slice %arg7[%dma_wait3A_323, %dma_wait3A_324] : memref<1600x32xf32, #tpu.memory_space<vmem>> -> memref<200x32xf32, #tpu.memory_space<vmem>>
    tpu.wait_dma2 semaphore(%arg11 : memref<!tpu.dma_semaphore, #tpu.memory_space<semaphore_mem>>) src(%dma_wait3A_325 : memref<200x32xf32, #tpu.memory_space<vmem>>) dst(%dma_wait3A_322 : memref<200x32xf32, #tpu.memory_space<hbm>>)
    return
  }
}

</mosaic_0001>

<sc_bundles>
// kernel: _embed.3.cloned.1.call-start
scs
__scs_entry_jumppad:
0x0: {  	(pc) =	sbr.rel $0x88, $3  }
0x1: {  	(tag) =	ssettag $0x0;
	lr =	simm.s32 $0x1  }
0x2: {  	[smem:$0x3F9F] =	sst lr;
	_ =	strace $0xD0000000  }
0x3: {  	_ = 	snop  }
0x4: {  	_ = 	snop  }
0x5: {  	_ = 	snop  }
0x6: {  	_ = 	snop  }
0x7: {  	_ = 	snop  }
__scs_overlays_trampoline_lowered:
0x8: {  	[smem:$0x3FAE] =	sst s0  }
0x9: {  	[smem:$0x3FAF] =	sst s1  }
0xa: {  	[smem:$0x3FB0] =	sst s2  }
0xb: {  	[smem:$0x3FB1] =	sst s3  }
0xc: {  	[smem:$0x3FB2] =	sst s4  }
0xd: {  	[smem:$0x3FB3] =	sst s5  }
0xe: {  	[smem:$0x3FB4] =	sst s6  }
0xf: {  	[smem:$0x3FB5] =	sst s7  }
0x10: {  	[smem:$0x3FB6] =	sst s8  }
0x11: {  	[smem:$0x3FB7] =	sst s9;
	s0 =	simm.s32 @!p0 $0x0  }
0x12: {  	s1 =	sld [smem:$0x3F9D];
	s0 =	simm.s32 @p0 $0x1  }
0x13: {  	[smem:$0x3FB8] =	sst s0;
	s0 =	simm.s32 @!p1 $0x0  }
0x14: {  	s2 =	sld [smem:$0x3F9C];
	s0 =	simm.s32 @p1 $0x1  }
0x15: {  	[smem:$0x3FB9] =	sst s0;
	s0 =	simm.s32 @!p2 $0x0  }
0x16: {  	s3 =	sld [smem:$0x3FDB];
	s0 =	simm.s32 @p2 $0x1  }
0x17: {  	s4 =	simm.s32 $0x1BF5;
	[smem:$0x3FBB] =	sst s0  }
0x18: {  	s0 =	sld [smem:$0x3F9E];
	_ =	swait.ge [sflag:s4], $0x0  }
0x19: {  	s7 =	sld [smem:$0x3F9F]  }
0x1a: {  	s8 =	sadd.s32 $0xFFFFE003, lr  }
0x1b: {  	s9 =	sadd.s32 $0xFFFFFEF7, lr;
	s5 =	simm.s32 $0xFFFFFFFF;
	p2 =	slt.u32 s8, $0xFFFFF086  }
0x1c: {  	p1 =	slt.u32 s9, $0xF7A;
	s5 =	simm.s32 @!p2 $0x0  }
0x1d: {  	s5 =	simm.s32 @p1 $0x1;
	p0 =	seq.s32 s7, s2  }
0x1e: {  	s7 =	smul.u32 @!p0 $0xF7A, s2;
	p2 =	seq.s32 @!p0 s5, $0x0  }
0x1f: {  	s9 =	smul.u32 $0xF7A, s1;
	s8 =	simm.s32 @!p0 $0x1BF5;
	p2 =	por !p2, p0  }
0x20: {  	[sflag:s8] =	ssyncset.s32 @!p0 $0xFFFFF086;
	s6 =	sadd.s32 @!p0 s3, s7;
	s7 =	simm.s32 @!p0 $0x108  }
0x21: {  	s3 =	sadd.s32 s3, s9;
	s6 =	sadd.s32 @!p0 $0x88, s6;
	s7 =	simm.s32 @p2 $0x1082  }
0x22: {  	[simem:s7], [sflag:s8] =	dma.local @!p0 [hbm:s6], $0xF7A  }
0x23: {  	s9 =	sor.u32 $0xD0000000, s2;
	s6 =	simm.s32 $0x108;
	_ =	swait.ge @!p0 [sflag:s8], $0x0  }
0x24: {  	s3 =	sadd.s32 $0x88, s3;
	s6 =	simm.s32 @!p1 $0x1082;
	[sflag:s4] =	ssyncset.s32 $0xFFFFF086  }
0x25: {  	[simem:s6], [sflag:s4] =	dma.local [hbm:s3], $0xF7A  }
0x26: {  	[smem:$0x3F9F] =	sst s1;
	(tag) =	ssettag s2;
	_ =	strace s9  }
0x27: {  	s1 =	sld [smem:$0x3FAF]  }
0x28: {  	s2 =	sld [smem:$0x3FB0]  }
0x29: {  	s4 =	sld [smem:$0x3FB2]  }
0x2a: {  	p0 =	seq.s32 s5, $0x0;
	s5 =	sld [smem:$0x3FB3]  }
0x2b: {  	s6 =	sld [smem:$0x3FB4]  }
0x2c: {  	s7 =	sld [smem:$0x3FB5]  }
0x2d: {  	s3 =	simm.s32 $0x108;
	s8 =	sld [smem:$0x3FB6]  }
0x2e: {  	s3 =	simm.s32 @!p0 $0x1082;
	s9 =	sld [smem:$0x3FB7]  }
0x2f: {  	lr =	sadd.s32 s0, s3;
	s0 =	sld [smem:$0x3FAE]  }
0x30: {  	s3 =	sld [smem:$0x3FB1]  }
0x31: {  	[smem:$0x3FBA] =	sst s10  }
0x32: {  	s10 =	sld [smem:$0x3FB8];
	_ =	sdelay $0x3  }
0x33: {  	p0 =	seq.s32 s10, $0x1;
	s10 =	sld [smem:$0x3FBA];
	_ =	sdelay $0x3  }
0x34: {  	[smem:$0x3FBA] =	sst s10  }
0x35: {  	s10 =	sld [smem:$0x3FB9];
	_ =	sdelay $0x3  }
0x36: {  	p1 =	seq.s32 s10, $0x1;
	s10 =	sld [smem:$0x3FBA];
	_ =	sdelay $0x3  }
0x37: {  	[smem:$0x3FBA] =	sst s10  }
0x38: {  	s10 =	sld [smem:$0x3FBB]  }
0x39: {  	_ = 	snop;
	(pc) =	sbr.ind lr, $3  }
0x3a: {  	_ = 	snop  }
0x3b: {  	_ = 	snop  }
0x3c: {  	p2 =	seq.s32 s10, $0x1;
	s10 =	sld [smem:$0x3FBA]  }
0x3d: {  	_ =	shalt  }
0x3e: {  	_ =	shalt  }
0x3f: {  	_ =	shalt  }
0x40: {  	_ =	shalt  }
0x41: {  	_ =	shalt  }
0x42: {  	_ =	shalt  }
0x43: {  	_ =	shalt  }
0x44: {  	_ =	shalt  }
0x45: {  	_ =	shalt  }
0x46: {  	_ =	shalt  }
0x47: {  	_ =	shalt  }
0x48: {  	_ =	shalt  }
0x49: {  	_ =	shalt  }
0x4a: {  	_ =	shalt  }
0x4b: {  	_ =	shalt  }
0x4c: {  	_ =	shalt  }
0x4d: {  	_ =	shalt  }
0x4e: {  	_ =	shalt  }
0x4f: {  	_ =	shalt  }
0x50: {  	_ =	shalt  }
0x51: {  	_ =	shalt  }
0x52: {  	_ =	shalt  }
0x53: {  	_ =	shalt  }
0x54: {  	_ =	shalt  }
0x55: {  	_ =	shalt  }
0x56: {  	_ =	shalt  }
0x57: {  	_ =	shalt  }
0x58: {  	_ =	shalt  }
0x59: {  	_ =	shalt  }
0x5a: {  	_ =	shalt  }
0x5b: {  	_ =	shalt  }
0x5c: {  	_ =	shalt  }
0x5d: {  	_ =	shalt  }
0x5e: {  	_ =	shalt  }
0x5f: {  	_ =	shalt  }
0x60: {  	_ =	shalt  }
0x61: {  	_ =	shalt  }
0x62: {  	_ =	shalt  }
0x63: {  	_ =	shalt  }
0x64: {  	_ =	shalt  }
0x65: {  	_ =	shalt  }
0x66: {  	_ =	shalt  }
0x67: {  	_ =	shalt  }
0x68: {  	_ =	shalt  }
0x69: {  	_ =	shalt  }
0x6a: {  	_ =	shalt  }
0x6b: {  	_ =	shalt  }
0x6c: {  	_ =	shalt  }
0x6d: {  	_ =	shalt  }
0x6e: {  	_ =	shalt  }
0x6f: {  	_ =	shalt  }
0x70: {  	_ =	shalt  }
0x71: {  	_ =	shalt  }
0x72: {  	_ =	shalt  }
0x73: {  	_ =	shalt  }
0x74: {  	_ =	shalt  }
0x75: {  	_ =	shalt  }
0x76: {  	_ =	shalt  }
0x77: {  	_ =	shalt  }
0x78: {  	_ =	shalt  }
0x79: {  	_ =	shalt  }
0x7a: {  	_ =	shalt  }
0x7b: {  	_ =	shalt  }
0x7c: {  	_ =	shalt  }
0x7d: {  	_ =	shalt  }
0x7e: {  	_ =	shalt  }
0x7f: {  	_ =	shalt  }
0x80: {  	_ =	shalt  }
0x81: {  	_ =	shalt  }
0x82: {  	_ =	shalt  }
0x83: {  	_ =	shalt  }
0x84: {  	_ =	shalt  }
0x85: {  	_ =	shalt  }
0x86: {  	_ =	shalt  }
0x87: {  	_ =	shalt  }
.Lfunc_end0:
.L_simem_size_0:
called_computation.1_lowered:
.L_overlay_start_0:
0x88: {  	s2 =	sld [smem:$0x3FD9]  }
0x89: {  	s3 =	sld [smem:$0x3FFE];
	_ =	sdelay $0x1  }
0x8a: {  	s1 =	srdreg.scid  }
0x8b: {  	s0 =	sand.u32 $0x1, s1  }
0x8c: {  	s17 =	sshll.u32 s0, $0xA;
	s2 =	sadd.s32 s3, s2  }
0x8d: {  	s2 =	sadd.s32 s2, s17  }
0x8e: {  	[smem:$0x3FC6] =	sst s2  }
0x8f: {  	_ = 	snop  }
0x90: {  	s2 =	sld [smem:$0x3FC9]  }
0x91: {  	s18 =	sld [smem:$0x3FD0];
	(tm) =	ssettm $0x1  }
0x92: {  	s4 =	sld [smem:$0x3FFB];
	_ =	sdelay $0x3  }
0x93: {  	_ =	strace s4  }
0x94: {  	s4 =	sld [smem:$0x3FFC];
	_ =	sdelay $0x3  }
0x95: {  	_ =	strace s4  }
0x96: {  	s4 =	sld [smem:$0x3FFD];
	_ =	sdelay $0x3  }
0x97: {  	_ =	strace s4  }
0x98: {  	_ =	strace $0x8FFFFFFF  }
0x99: {  	s19 =	sld [smem:$0x3FDB];
	_ =	sdelay $0x1  }
0x9a: {  	s5 =	simm.s32 $_scs_section_size  }
0x9b: {  	s6 =	simm.s32 $_size__tile_overlayer_lowered;
	s7 =	simm.s32 $_tile_overlayer_lowered  }
0x9c: {  	s22 =	simm.s32 $0x1BFF;
	s21 =	sshll.u32 s7, $0x1;
	s4 =	sadd.s32 s5, s19  }
0x9d: {  	s8 =	simm.s32 $0x0;
	s20 =	sshll.u32 s6, $0x1;
	s6 =	sadd.s32 s21, s4  }
0x9e: {  	[timem:s8], [sflag:s22] =	dma.local [hbm:s6], s20  }
0x9f: {  	_ =	swait.ge [sflag:s22], s20  }
0xa0: {  	s5 =	ssub.s32 $0x0, s20;
	[sflag:s22] =	ssyncset.done $0x0  }
0xa1: {  	[sflag:s22] =	ssyncadd.s32 s5;
	_ =	sdelay $0x1  }
0xa2: {  	s23 =	simm.s32 $0x1B8B  }
0xa3: {  	_ =	swait.ge [sflag:s23], $0x1  }
0xa4: {  	[sflag:s23] =	ssyncset.done $0x0  }
0xa5: {  	s25 =	simm.s32 $0x1B8E;
	s24 =	sld [smem:$0x3FFE];
	[sflag:s23] =	ssyncadd.s32 $0xFFFFFFFF  }
0xa6: {  	s26 =	simm.s32 $execute0_lowered;
	[smem:$0x3FD2] =	sst s25  }
0xa7: {  	s6 =	sshll.u32 s26, $0x1;
	_ =	strace $0x80000046;
	[dreg:$0x1] =	wrdreg $0xFFFFFFFF  }
0xa8: {  	s28 =	simm.s32 $_size_execute0_lowered;
	s4 =	sadd.s32 s4, s6;
	[dreg:$0x0] =	wrdreg $0x0  }
0xa9: {  	s6 =	sshll.u32 s28, $0x1;
	[dreg:$0x2] =	wrdreg s4  }
0xaa: {  	[dreg:$0x3] =	wrdreg s6  }
0xab: {  	[dreg:$0x4] =	wrdreg $0xC0  }
0xac: {  	_ =	task [dreg:s8], $0x5FFFF  }
0xad: {  	[dreg:$0x1] =	wrdreg $0xFFFFFFFF  }
0xae: {  	[dreg:$0x0] =	wrdreg $0x60  }
0xaf: {  	[dreg:$0x2] =	wrdreg s2  }
0xb0: {  	[dreg:$0x3] =	wrdreg s24  }
0xb1: {  	[dreg:$0x4] =	wrdreg s18  }
0xb2: {  	[dreg:$0x5] =	wrdreg $0x9  }
0xb3: {  	_ =	task.clear_ibuf [dreg:s8], $0x6FFFF;
	_ =	strace $0x90000046  }
0xb4: {  	s29 =	simm.s32 $0x9;
	_ =	strace $0x80000048  }
0xb5: {  	_ =	swait.ge [sflag:s29], $0x1  }
0xb6: {  	[sflag:s29] =	ssyncadd.s32 $0xFFFFFFFF  }
0xb7: {  	_ =	strace $0x90000048  }
0xb8: {  	_ =	sfence  }
0xb9: {  	s30 =	sld [smem:$0x0];
	_ =	sdelay $0x2  }
0xba: {  	s31 =	sshll.u32 s1, $0xD;
	s1 =	sshrl.u32 s1, $0x2  }
0xbb: {  	s3 =	sand.u32 $0x4000, s31;
	s1 =	sadd.s32 s1, s30  }
0xbc: {  	s0 =	sor.u32 s3, s0;
	s1 =	sshll.u32 s1, $0x11  }
0xbd: {  	s0 =	sor.u32 s1, s0  }
0xbe: {  	s0 =	sadd.s32 $0x8F2B, s0  }
0xbf: {  	[sflag:s0] =	ssyncadd.remote.s32 $0x1  }
0xc0: {  	_ =	sfence.sel $0xFFFF  }
0xc1: {  	[dreg:$0x0] =	wrdreg $0xFFFFFFFF;
	(pc) =	sbr.abs _section_cstart, $3  }
0xc2: {  	[dreg:$0x1] =	wrdreg $0xFFFFFFFF  }
0xc3: {  	_ =	task.clear_ibuf [dreg:s8], $0x2FFFF;
	_ =	strace $0x9FFFFFFF  }
0xc4: {  	(tm) =	ssettm $0x7FFFFFFF  }
0xc5: {  	_ =	shalt  }
tec
execute0_lowered:
.L_overlay_start_1:
0x0: {  	(tag) =	ssettag $0x1  }
0x1: {  	s0 =	rddreg [dreg:$0x0];
	s1 =	srdreg.scid  }
0x2: {  	s2 =	stileid.u32;
	s5 =	rddreg [dreg:$0x1];
	s9 =	simm.s32 $0x640  }
0x3: {  	s10 =	simm.s32 $0x6400;
	s11 =	simm.s32 $0x12C00;
	s12 =	simm.s32 $0x1  }
0x4: {  	s13 =	simm.s32 $0x7D00;
	s14 =	simm.s32 $0x9600;
	s15 =	simm.s32 $0xAF00  }
0x5: {  	s16 =	simm.s32 $0xC800;
	s17 =	simm.s32 $0xE100;
	s18 =	simm.s32 $0xFA00  }
0x6: {  	s19 =	simm.s32 $0x11300;
	s20 =	simm.s32 $0x2;
	s21 =	simm.s32 $0x14500  }
0x7: {  	s22 =	simm.s32 $0x15E00;
	s23 =	simm.s32 $0x17700;
	s24 =	simm.s32 $0x19000  }
0x8: {  	s25 =	simm.s32 $0x1A900;
	s1 =	sand.u32 $0x1, s1;
	s3 =	sshll.u32 s2, $0x1  }
0x9: {  	s26 =	simm.s32 $0x1C200;
	s28 =	simm.s32 $0x1DB00;
	s4 =	sor.u32 s1, s3  }
0xa: {  	s29 =	simm.s32 $0x3;
	s1 =	ssub.s32 $0x2, s1;
	s4 =	smul.u32 $0x6400, s4  }
.Ltmp0:
0xb: {  	s30 =	simm.s32 $0x4;
	s6 =	sshrl.u32 s1, $0x1;
	(pc) =	sbr.rel .LBB2_1-.Ltmp0, $4  }
0xc: {  	s2 =	rddreg [dreg:$0x2];
	s3 =	simm.s32 $0x0;
	s1 =	ssub.s32 s1, s6  }
0xd: {  	[smem:$0x7FF] =	sst s3;
	s7 =	sshrl.u32 s4, $0x3;
	s31 =	smax.u32 s1, $0x1  }
0xe: {  	_ =	strace $0x80000047;
	s0 =	sadd.s32 s0, s7;
	[dreg:$0x5] =	wrdreg s31  }
0xf: {  	s5 =	sadd.s32 $0xF42C00, s5;
	s1 =	simm.s32 $0x0;
	[dreg:$0x4] =	wrdreg s0  }
.LBB2_18:
0x10: {  	_ =	swait.ge [sflag:s29], $0x1900  }
0x11: {  	[sflag:s29] =	ssyncset.done $0x0  }
0x12: {  	[sflag:s29] =	ssyncadd.s32 $0xFFFFE700  }
0x13: {  	_ =	swait.ge [sflag:s29], $0x1900  }
0x14: {  	[sflag:s29] =	ssyncset.done $0x0  }
0x15: {  	[sflag:s29] =	ssyncadd.s32 $0xFFFFE700  }
0x16: {  	_ =	swait.ge [sflag:s29], $0x1900  }
0x17: {  	[sflag:s29] =	ssyncset.done $0x0  }
0x18: {  	[sflag:s29] =	ssyncadd.s32 $0xFFFFE700  }
0x19: {  	_ =	swait.ge [sflag:s29], $0x1900  }
0x1a: {  	[sflag:s29] =	ssyncset.done $0x0  }
0x1b: {  	[sflag:s29] =	ssyncadd.s32 $0xFFFFE700  }
0x1c: {  	_ =	swait.ge [sflag:s29], $0x1900  }
0x1d: {  	[sflag:s29] =	ssyncset.done $0x0  }
0x1e: {  	[sflag:s29] =	ssyncadd.s32 $0xFFFFE700  }
0x1f: {  	_ =	swait.ge [sflag:s29], $0x1900  }
0x20: {  	[sflag:s29] =	ssyncset.done $0x0  }
0x21: {  	[sflag:s29] =	ssyncadd.s32 $0xFFFFE700  }
0x22: {  	_ =	swait.ge [sflag:s29], $0x1900  }
0x23: {  	[sflag:s29] =	ssyncset.done $0x0  }
0x24: {  	[sflag:s29] =	ssyncadd.s32 $0xFFFFE700  }
0x25: {  	_ =	swait.ge [sflag:s29], $0x1900  }
0x26: {  	[sflag:s29] =	ssyncset.done $0x0  }
0x27: {  	[sflag:s29] =	ssyncadd.s32 $0xFFFFE700  }
0x28: {  	_ =	swait.ge [sflag:s30], $0x1900  }
0x29: {  	[sflag:s30] =	ssyncset.done $0x0  }
0x2a: {  	[sflag:s30] =	ssyncadd.s32 $0xFFFFE700  }
0x2b: {  	_ =	swait.ge [sflag:s30], $0x1900  }
0x2c: {  	[sflag:s30] =	ssyncset.done $0x0  }
0x2d: {  	[sflag:s30] =	ssyncadd.s32 $0xFFFFE700  }
0x2e: {  	_ =	swait.ge [sflag:s30], $0x1900  }
0x2f: {  	[sflag:s30] =	ssyncset.done $0x0  }
0x30: {  	[sflag:s30] =	ssyncadd.s32 $0xFFFFE700  }
0x31: {  	_ =	swait.ge [sflag:s30], $0x1900  }
0x32: {  	[sflag:s30] =	ssyncset.done $0x0  }
0x33: {  	[sflag:s30] =	ssyncadd.s32 $0xFFFFE700  }
0x34: {  	_ =	swait.ge [sflag:s30], $0x1900  }
0x35: {  	[sflag:s30] =	ssyncset.done $0x0  }
0x36: {  	[sflag:s30] =	ssyncadd.s32 $0xFFFFE700  }
0x37: {  	_ =	swait.ge [sflag:s30], $0x1900  }
0x38: {  	[sflag:s30] =	ssyncset.done $0x0  }
0x39: {  	[sflag:s30] =	ssyncadd.s32 $0xFFFFE700  }
0x3a: {  	_ =	swait.ge [sflag:s30], $0x1900  }
0x3b: {  	[sflag:s30] =	ssyncset.done $0x0  }
0x3c: {  	[sflag:s30] =	ssyncadd.s32 $0xFFFFE700  }
0x3d: {  	_ =	swait.ge [sflag:s30], $0x1900  }
0x3e: {  	s1 =	rddreg [dreg:$0x6]  }
0x3f: {  	s0 =	rddreg [dreg:$0x5];
	s1 =	sadd.s32 $0x1, s1  }
0x40: {  	p0 =	sne.s32 s1, s0  }
.Ltmp1:
0x41: {  	_ = 	snop;
	(pc) =	sbr.rel @!p0 .LBB2_19-.Ltmp1, $3  }
0x42: {  	_ =	sdelay $0x1  }
0x43: {  	[sflag:s30] =	ssyncset.done $0x0  }
0x44: {  	[sflag:s30] =	ssyncadd.s32 $0xFFFFE700  }
.LBB2_1:
0x45: {  	[dreg:$0x6] =	wrdreg s1  }
0x46: {  	s0 =	rddreg [dreg:$0x4];
	s31 =	simm.s32 $0x5  }
0x47: {  	[tilespmem:s3], [sflag:$0x5] =	stream.linear.gather [hbm4b:s0+s3], $0x6400, $0x38;
	[tilespmem:$0x1F400] =	vst v63  }
0x48: {  	_ =	swait.ge [sflag:s31], $0x6400  }
0x49: {  	[sflag:s31] =	ssyncset.done $0x0  }
0x4a: {  	s0 =	simm.s32 $0x20;
	[sflag:s31] =	ssyncadd.s32 $0xFFFF9C00  }
0x4b: {  	v2 =	vld [tilespmem:s0+$0xFFFFFFE0]  }
0x4c: {  	v3 =	vld [tilespmem:s0+$0x0]  }
0x4d: {  	v0 =	vld [tilespmem:s0+$0x10]  }
0x4e: {  	v1 =	vld [tilespmem:s0+$0xFFFFFFF0];
	_ =	sdelay $0x1  }
0x4f: {  	v2 =	vadd.s32 $0x1, v2  }
0x50: {  	s1 =	simm.s32 $0x0;
	s6 =	simm.s32 $0x60;
	[tilespmem:s0+$0xFFFFFFE0] =	vst v2;
	v2 =	vadd.s32 $0x1, v3  }
.LBB2_2:
0x51: {  	v3 =	vld [tilespmem:s6+$0xFFFFFFE0];
	[tilespmem:s0+$0x0] =	vst v2;
	v0 =	vadd.s32 $0x1, v0;
	s1 =	sadd.s32 $0x4, s1  }
0x52: {  	v2 =	vld [tilespmem:s6+$0x0];
	v1 =	vadd.s32 $0x1, v1;
	[tilespmem:s0+$0x10] =	vst v0;
	p0 =	slt.u32 s1, $0x60  }
.Ltmp2:
0x53: {  	v0 =	vld [tilespmem:s6+$0x10];
	[tilespmem:s0+$0xFFFFFFF0] =	vst v1;
	s0 =	smov.u32 s6;
	(pc) =	sbr.rel @p0 .LBB2_2-.Ltmp2, $3  }
0x54: {  	v1 =	vld [tilespmem:s6+$0xFFFFFFF0];
	_ =	sdelay $0x1  }
0x55: {  	v3 =	vadd.s32 $0x1, v3  }
0x56: {  	s6 =	sadd.s32 $0x40, s6;
	[tilespmem:s0+$0xFFFFFFE0] =	vst v3;
	v2 =	vadd.s32 $0x1, v2  }
0x57: {  	[tilespmem:s0+$0x0] =	vst v2;
	v0 =	vadd.s32 $0x1, v0  }
0x58: {  	v1 =	vadd.s32 $0x1, v1;
	[tilespmem:s0+$0x10] =	vst v0  }
0x59: {  	[tilespmem:s0+$0xFFFFFFF0] =	vst v1;
	s0 =	simm.s32 $0x670  }
0x5a: {  	[tilespmem:s10], [sflag:$0x1] =	stream.indirect.gather [hbm4b:s5+s9], $0x20, s3, s9, $0xb8;
	[tilespmem:$0x1F400] =	vst v63  }
0x5b: {  	v2 =	vld [tilespmem:s0+$0xFFFFFFD0]  }
0x5c: {  	v3 =	vld [tilespmem:s0+$0xFFFFFFE0]  }
0x5d: {  	v0 =	vld [tilespmem:s0+$0x0]  }
0x5e: {  	v1 =	vld [tilespmem:s0+$0xFFFFFFF0];
	_ =	sdelay $0x1  }
0x5f: {  	v2 =	vadd.s32 $0x1, v2  }
0x60: {  	s1 =	simm.s32 $0x0;
	s6 =	simm.s32 $0x6B0;
	[tilespmem:s0+$0xFFFFFFD0] =	vst v2;
	v2 =	vadd.s32 $0x1, v3  }
.LBB2_4:
0x61: {  	v3 =	vld [tilespmem:s6+$0xFFFFFFD0];
	[tilespmem:s0+$0xFFFFFFE0] =	vst v2;
	v0 =	vadd.s32 $0x1, v0;
	s1 =	sadd.s32 $0x4, s1  }
0x62: {  	v2 =	vld [tilespmem:s6+$0xFFFFFFE0];
	v1 =	vadd.s32 $0x1, v1;
	[tilespmem:s0+$0x0] =	vst v0;
	p0 =	slt.u32 s1, $0x60  }
.Ltmp3:
0x63: {  	v0 =	vld [tilespmem:s6+$0x0];
	[tilespmem:s0+$0xFFFFFFF0] =	vst v1;
	s0 =	smov.u32 s6;
	(pc) =	sbr.rel @p0 .LBB2_4-.Ltmp3, $3  }
0x64: {  	v1 =	vld [tilespmem:s6+$0xFFFFFFF0];
	_ =	sdelay $0x1  }
0x65: {  	v3 =	vadd.s32 $0x1, v3  }
0x66: {  	s6 =	sadd.s32 $0x40, s6;
	[tilespmem:s0+$0xFFFFFFD0] =	vst v3;
	v2 =	vadd.s32 $0x1, v2  }
.Ltmp4:
0x67: {  	(pc) =	sbr.rel .LBB2_6-.Ltmp4, $4  }
0x68: {  	_ = 	snop  }
0x69: {  	[tilespmem:s0+$0xFFFFFFE0] =	vst v2;
	v0 =	vadd.s32 $0x1, v0  }
0x6a: {  	v1 =	vadd.s32 $0x1, v1;
	[tilespmem:s0+$0x0] =	vst v0  }
0x6b: {  	s1 =	simm.s32 $0x0;
	[tilespmem:s0+$0xFFFFFFF0] =	vst v1  }
.LBB2_17:
0x6c: {  	s0 =	sadd.s32 s4, s0  }
0x6d: {  	s0 =	smulhi.u32 $0x51EB851F, s0;
	_ =	sdelay $0x1  }
0x6e: {  	s0 =	sshrl.u32 s0, $0x6  }
0x6f: {  	s6 =	smul.u32 $0x320, s0  }
0x70: {  	_ =	swait.ge [sflag:s20], $0xC800;
	s0 =	smul.u32 $0x1900, s0  }
0x71: {  	[sflag:s20] =	ssyncset.done $0x0  }
0x72: {  	[sflag:s20] =	ssyncadd.s32 $0xFFFF3800;
	s6 =	sadd.s32 s2, s6;
	s0 =	sshrl.u32 s0, $0x3  }
0x73: {  	[hbm4b:s6+s3] =	stream.linear.scatter [tilespmem:s11], [sflag:$0x4], $0x1900, $0x38;
	[tilespmem:$0x1F400] =	vst v63  }
0x74: {  	s0 =	sadd.s32 s2, s0  }
0x75: {  	s7 =	sadd.s32 $0x320, s0  }
0x76: {  	[hbm4b:s7+s3] =	stream.linear.scatter [tilespmem:s21], [sflag:$0x4], $0x1900, $0x38;
	[tilespmem:$0x1F400] =	vst v63  }
0x77: {  	s8 =	sadd.s32 $0x640, s0  }
0x78: {  	[hbm4b:s8+s3] =	stream.linear.scatter [tilespmem:s22], [sflag:$0x4], $0x1900, $0x38;
	[tilespmem:$0x1F400] =	vst v63  }
0x79: {  	s31 =	sadd.s32 $0x960, s0  }
0x7a: {  	[hbm4b:s31+s3] =	stream.linear.scatter [tilespmem:s23], [sflag:$0x4], $0x1900, $0x38;
	[tilespmem:$0x1F400] =	vst v63  }
0x7b: {  	s1 =	sadd.s32 $0x1, s1;
	s7 =	sadd.s32 $0xC80, s0  }
0x7c: {  	[hbm4b:s7+s3] =	stream.linear.scatter [tilespmem:s24], [sflag:$0x4], $0x1900, $0x38;
	[tilespmem:$0x1F400] =	vst v63  }
0x7d: {  	p0 =	sne.s32 s1, $0x8;
	s8 =	sadd.s32 $0xFA0, s0  }
0x7e: {  	[hbm4b:s8+s3] =	stream.linear.scatter [tilespmem:s25], [sflag:$0x4], $0x1900, $0x38;
	[tilespmem:$0x1F400] =	vst v63  }
.Ltmp5:
0x7f: {  	_ = 	snop;
	(pc) =	sbr.rel @!p0 .LBB2_18-.Ltmp5, $4  }
0x80: {  	s31 =	sadd.s32 $0x12C0, s0  }
0x81: {  	[hbm4b:s31+s3] =	stream.linear.scatter [tilespmem:s26], [sflag:$0x4], $0x1900, $0x38;
	[tilespmem:$0x1F400] =	vst v63  }
0x82: {  	s0 =	sadd.s32 $0x15E0, s0  }
0x83: {  	[hbm4b:s0+s3] =	stream.linear.scatter [tilespmem:s28], [sflag:$0x4], $0x1900, $0x38;
	[tilespmem:$0x1F400] =	vst v63  }
.LBB2_6:
0x84: {  	p0 =	sne.s32 s1, $0x0  }
.Ltmp6:
0x85: {  	_ = 	snop;
	(pc) =	sbr.rel @!p0 .LBB2_7-.Ltmp6, $1  }
0x86: {  	_ =	sdelay $0x3  }
0x87: {  	_ =	swait.ge [sflag:s30], $0x1900  }
0x88: {  	[sflag:s30] =	ssyncset.done $0x0  }
0x89: {  	[sflag:s30] =	ssyncadd.s32 $0xFFFFE700  }
0x8a: {  	_ =	swait.ge [sflag:s30], $0x1900  }
0x8b: {  	[sflag:s30] =	ssyncset.done $0x0  }
0x8c: {  	[sflag:s30] =	ssyncadd.s32 $0xFFFFE700  }
0x8d: {  	_ =	swait.ge [sflag:s30], $0x1900  }
0x8e: {  	[sflag:s30] =	ssyncset.done $0x0  }
0x8f: {  	[sflag:s30] =	ssyncadd.s32 $0xFFFFE700  }
0x90: {  	_ =	swait.ge [sflag:s30], $0x1900  }
0x91: {  	[sflag:s30] =	ssyncset.done $0x0  }
0x92: {  	[sflag:s30] =	ssyncadd.s32 $0xFFFFE700  }
0x93: {  	_ =	swait.ge [sflag:s30], $0x1900  }
0x94: {  	[sflag:s30] =	ssyncset.done $0x0  }
0x95: {  	[sflag:s30] =	ssyncadd.s32 $0xFFFFE700  }
0x96: {  	_ =	swait.ge [sflag:s30], $0x1900  }
0x97: {  	[sflag:s30] =	ssyncset.done $0x0  }
0x98: {  	[sflag:s30] =	ssyncadd.s32 $0xFFFFE700  }
0x99: {  	_ =	swait.ge [sflag:s30], $0x1900  }
0x9a: {  	p0 =	seq.s32 s1, $0x7;
	[sflag:s30] =	ssyncset.done $0x0  }
.Ltmp7:
0x9b: {  	[sflag:s30] =	ssyncadd.s32 $0xFFFFE700;
	(pc) =	sbr.rel @!p0 .LBB2_8-.Ltmp7, $4  }
0x9c: {  	s6 =	smul.u32 $0xC80, s1;
	_ =	swait.ge [sflag:s30], $0x1900  }
0x9d: {  	[sflag:s30] =	ssyncset.done $0x0  }
0x9e: {  	s0 =	sadd.s32 $0x640, s6;
	[sflag:s30] =	ssyncadd.s32 $0xFFFFE700  }
0x9f: {  	[tilespmem:s11], [sflag:$0x2] =	stream.indirect.gather [hbm4b:s5+s9], $0x20, s0, s9, $0xb8;
	[tilespmem:$0x1F400] =	vst v63  }
.Ltmp8:
0xa0: {  	(pc) =	sbr.rel .LBB2_13-.Ltmp8, $2  }
0xa1: {  	_ =	sdelay $0x2  }
0xa2: {  	s6 =	simm.s32 $0x5780;
	p0 =	por $0x1, $0x1  }
.LBB2_7:
0xa3: {  	s0 =	simm.s32 $0x640;
	s6 =	simm.s32 $0x0  }
0xa4: {  	[tilespmem:s11], [sflag:$0x2] =	stream.indirect.gather [hbm4b:s5+s0], $0x20, s0, s0, $0xb8;
	[tilespmem:$0x1F400] =	vst v63  }
.LBB2_8:
0xa5: {  	s7 =	sshll.u32 s6, $0x2  }
0xa6: {  	s7 =	sshra.s32 s7, $0x2  }
0xa7: {  	s7 =	sadd.s32 $0xCB0, s7  }
0xa8: {  	v2 =	vld [tilespmem:s7+$0xFFFFFFD0]  }
0xa9: {  	v3 =	vld [tilespmem:s7+$0xFFFFFFE0]  }
0xaa: {  	v0 =	vld [tilespmem:s7+$0x0]  }
0xab: {  	v1 =	vld [tilespmem:s7+$0xFFFFFFF0];
	_ =	sdelay $0x1  }
0xac: {  	v2 =	vadd.s32 $0x1, v2  }
0xad: {  	s8 =	simm.s32 $0x0;
	s31 =	sadd.s32 $0x40, s7;
	[tilespmem:s7+$0xFFFFFFD0] =	vst v2;
	v2 =	vadd.s32 $0x1, v3  }
.LBB2_9:
0xae: {  	v3 =	vld [tilespmem:s31+$0xFFFFFFD0];
	[tilespmem:s7+$0xFFFFFFE0] =	vst v2;
	v0 =	vadd.s32 $0x1, v0;
	s8 =	sadd.s32 $0x4, s8  }
0xaf: {  	v2 =	vld [tilespmem:s31+$0xFFFFFFE0];
	v1 =	vadd.s32 $0x1, v1;
	[tilespmem:s7+$0x0] =	vst v0;
	p0 =	slt.u32 s8, $0x60  }
.Ltmp9:
0xb0: {  	v0 =	vld [tilespmem:s31+$0x0];
	[tilespmem:s7+$0xFFFFFFF0] =	vst v1;
	s7 =	smov.u32 s31;
	(pc) =	sbr.rel @p0 .LBB2_9-.Ltmp9, $3  }
0xb1: {  	v1 =	vld [tilespmem:s31+$0xFFFFFFF0];
	_ =	sdelay $0x1  }
0xb2: {  	v3 =	vadd.s32 $0x1, v3  }
0xb3: {  	s31 =	sadd.s32 $0x40, s31;
	[tilespmem:s7+$0xFFFFFFD0] =	vst v3;
	v2 =	vadd.s32 $0x1, v2  }
0xb4: {  	[tilespmem:s7+$0xFFFFFFE0] =	vst v2;
	v0 =	vadd.s32 $0x1, v0  }
0xb5: {  	v1 =	vadd.s32 $0x1, v1;
	[tilespmem:s7+$0x0] =	vst v0  }
0xb6: {  	p0 =	por $0x0, $0x0;
	[tilespmem:s7+$0xFFFFFFF0] =	vst v1  }
.LBB2_13:
0xb7: {  	s7 =	sadd.s32 s4, s6  }
0xb8: {  	s7 =	smulhi.u32 $0x51EB851F, s7;
	_ =	sdelay $0x1  }
0xb9: {  	s7 =	sshrl.u32 s7, $0x6  }
0xba: {  	s8 =	smul.u32 $0x320, s7  }
0xbb: {  	_ =	swait.ge [sflag:s12], $0xC800;
	s7 =	smul.u32 $0x1900, s7  }
0xbc: {  	[sflag:s12] =	ssyncset.done $0x0  }
0xbd: {  	[sflag:s12] =	ssyncadd.s32 $0xFFFF3800;
	s8 =	sadd.s32 s2, s8;
	s7 =	sshrl.u32 s7, $0x3  }
0xbe: {  	[hbm4b:s8+s3] =	stream.linear.scatter [tilespmem:s10], [sflag:$0x3], $0x1900, $0x38;
	[tilespmem:$0x1F400] =	vst v63  }
0xbf: {  	s7 =	sadd.s32 s2, s7  }
0xc0: {  	s31 =	sadd.s32 $0x320, s7  }
0xc1: {  	[hbm4b:s31+s3] =	stream.linear.scatter [tilespmem:s13], [sflag:$0x3], $0x1900, $0x38;
	[tilespmem:$0x1F400] =	vst v63  }
0xc2: {  	s31 =	sadd.s32 $0x640, s7  }
0xc3: {  	[hbm4b:s31+s3] =	stream.linear.scatter [tilespmem:s14], [sflag:$0x3], $0x1900, $0x38;
	[tilespmem:$0x1F400] =	vst v63  }
0xc4: {  	s31 =	sadd.s32 $0x960, s7  }
0xc5: {  	[hbm4b:s31+s3] =	stream.linear.scatter [tilespmem:s15], [sflag:$0x3], $0x1900, $0x38;
	[tilespmem:$0x1F400] =	vst v63  }
0xc6: {  	s31 =	sadd.s32 $0xC80, s7  }
0xc7: {  	[hbm4b:s31+s3] =	stream.linear.scatter [tilespmem:s16], [sflag:$0x3], $0x1900, $0x38;
	[tilespmem:$0x1F400] =	vst v63  }
0xc8: {  	s31 =	sadd.s32 $0xFA0, s7  }
0xc9: {  	[hbm4b:s31+s3] =	stream.linear.scatter [tilespmem:s17], [sflag:$0x3], $0x1900, $0x38;
	[tilespmem:$0x1F400] =	vst v63  }
.Ltmp10:
0xca: {  	_ = 	snop;
	(pc) =	sbr.rel @p0 .LBB2_17-.Ltmp10, $4  }
0xcb: {  	s31 =	sadd.s32 $0x12C0, s7  }
0xcc: {  	[hbm4b:s31+s3] =	stream.linear.scatter [tilespmem:s18], [sflag:$0x3], $0x1900, $0x38;
	[tilespmem:$0x1F400] =	vst v63  }
0xcd: {  	s7 =	sadd.s32 $0x15E0, s7  }
0xce: {  	[hbm4b:s7+s3] =	stream.linear.scatter [tilespmem:s19], [sflag:$0x3], $0x1900, $0x38;
	[tilespmem:$0x1F400] =	vst v63  }
0xcf: {  	_ =	swait.ge [sflag:s29], $0x1900  }
0xd0: {  	[sflag:s29] =	ssyncset.done $0x0  }
0xd1: {  	[sflag:s29] =	ssyncadd.s32 $0xFFFFE700  }
0xd2: {  	_ =	swait.ge [sflag:s29], $0x1900  }
0xd3: {  	[sflag:s29] =	ssyncset.done $0x0  }
0xd4: {  	[sflag:s29] =	ssyncadd.s32 $0xFFFFE700  }
0xd5: {  	_ =	swait.ge [sflag:s29], $0x1900  }
0xd6: {  	[sflag:s29] =	ssyncset.done $0x0  }
0xd7: {  	[sflag:s29] =	ssyncadd.s32 $0xFFFFE700  }
0xd8: {  	_ =	swait.ge [sflag:s29], $0x1900  }
0xd9: {  	[sflag:s29] =	ssyncset.done $0x0  }
0xda: {  	[sflag:s29] =	ssyncadd.s32 $0xFFFFE700  }
0xdb: {  	_ =	swait.ge [sflag:s29], $0x1900  }
0xdc: {  	[sflag:s29] =	ssyncset.done $0x0  }
0xdd: {  	[sflag:s29] =	ssyncadd.s32 $0xFFFFE700  }
0xde: {  	_ =	swait.ge [sflag:s29], $0x1900  }
0xdf: {  	[sflag:s29] =	ssyncset.done $0x0  }
0xe0: {  	[sflag:s29] =	ssyncadd.s32 $0xFFFFE700  }
0xe1: {  	_ =	swait.ge [sflag:s29], $0x1900  }
0xe2: {  	[sflag:s29] =	ssyncset.done $0x0  }
0xe3: {  	[sflag:s29] =	ssyncadd.s32 $0xFFFFE700  }
0xe4: {  	s31 =	sshll.u32 s6, $0x2;
	_ =	swait.ge [sflag:s29], $0x1900  }
0xe5: {  	s7 =	sadd.s32 $0xC80, s6;
	s6 =	sshra.s32 s31, $0x2;
	[sflag:s29] =	ssyncset.done $0x0  }
0xe6: {  	s6 =	sadd.s32 $0x12F0, s6;
	[sflag:s29] =	ssyncadd.s32 $0xFFFFE700  }
0xe7: {  	[tilespmem:s10], [sflag:$0x1] =	stream.indirect.gather [hbm4b:s5+s9], $0x20, s7, s9, $0xb8;
	[tilespmem:$0x1F400] =	vst v63  }
0xe8: {  	v2 =	vld [tilespmem:s6+$0xFFFFFFD0]  }
0xe9: {  	v3 =	vld [tilespmem:s6+$0xFFFFFFE0]  }
0xea: {  	v0 =	vld [tilespmem:s6+$0x0]  }
0xeb: {  	v1 =	vld [tilespmem:s6+$0xFFFFFFF0];
	_ =	sdelay $0x1  }
0xec: {  	v2 =	vadd.s32 $0x1, v2  }
0xed: {  	s8 =	sadd.s32 $0x40, s6;
	s7 =	simm.s32 $0x0;
	[tilespmem:s6+$0xFFFFFFD0] =	vst v2;
	v2 =	vadd.s32 $0x1, v3  }
.LBB2_15:
0xee: {  	v3 =	vld [tilespmem:s8+$0xFFFFFFD0];
	[tilespmem:s6+$0xFFFFFFE0] =	vst v2;
	v0 =	vadd.s32 $0x1, v0;
	s7 =	sadd.s32 $0x4, s7  }
0xef: {  	v2 =	vld [tilespmem:s8+$0xFFFFFFE0];
	v1 =	vadd.s32 $0x1, v1;
	[tilespmem:s6+$0x0] =	vst v0;
	p0 =	slt.u32 s7, $0x60  }
.Ltmp11:
0xf0: {  	v0 =	vld [tilespmem:s8+$0x0];
	[tilespmem:s6+$0xFFFFFFF0] =	vst v1;
	s6 =	smov.u32 s8;
	(pc) =	sbr.rel @p0 .LBB2_15-.Ltmp11, $3  }
0xf1: {  	v1 =	vld [tilespmem:s8+$0xFFFFFFF0];
	_ =	sdelay $0x1  }
0xf2: {  	v3 =	vadd.s32 $0x1, v3  }
0xf3: {  	s8 =	sadd.s32 $0x40, s8;
	[tilespmem:s6+$0xFFFFFFD0] =	vst v3;
	v2 =	vadd.s32 $0x1, v2  }
.Ltmp12:
0xf4: {  	(pc) =	sbr.rel .LBB2_17-.Ltmp12, $4  }
0xf5: {  	_ = 	snop  }
0xf6: {  	[tilespmem:s6+$0xFFFFFFE0] =	vst v2;
	v0 =	vadd.s32 $0x1, v0  }
0xf7: {  	v1 =	vadd.s32 $0x1, v1;
	[tilespmem:s6+$0x0] =	vst v0  }
0xf8: {  	[tilespmem:s6+$0xFFFFFFF0] =	vst v1  }
.LBB2_19:
0xf9: {  	_ =	sfence.sel $0x180000  }
0xfa: {  	[bflag:$0x0] =	sbarrier.arrive $0xFFFF  }
0xfb: {  	_ =	strace $0x90000047  }
0xfc: {  	s0 =	stileid.u32;
	[bflag:$0x2] =	sbarrier.arrive $0xFFFF  }
0xfd: {  	p0 =	sne.s32 s0, $0x0;
	s0 =	rddreg [dreg:$0x3]  }
0xfe: {  	s0 =	sadd.s32 @!p0 $0x100000, s0  }
0xff: {  	[sflag:s0] =	ssyncadd.tile.s32 @!p0 $0x1;
	_ =	shalt  }
.Lfunc_end2:
_tile_overlayer_lowered:
.L_overlay_start_2:
0x100: {  	(tag) =	ssettag $0x2  }
0x101: {  	s0 =	rddreg [dreg:$0x0];
	s2 =	stileid.u32  }
0x102: {  	s1 =	rddreg [dreg:$0x1];
	p0 =	sne.s32 s2, $0x0  }
0x103: {  	s3 =	rddreg [dreg:$0x2];
	[bflag:$0x3] =	sbarrier.arrive $0xFFFF;
	s2 =	simm.s32 @!p0 $0x1C05  }
0x104: {  	[timem:s3], [sflag:s2] =	dma.local @!p0 [hbm:s0], s1  }
0x105: {  	s0 =	simm.s32 @!p0 $0x5  }
0x106: {  	_ =	swait.ge @!p0 [sflag:s0], s1  }
0x107: {  	s1 =	ssub.s32 @!p0 $0x0, s1;
	[sflag:s0] =	ssyncset.done @!p0 $0x0  }
0x108: {  	[sflag:s0] =	ssyncadd.s32 @!p0 s1  }
0x109: {  	[bflag:$0x3] =	sbarrier.arrive $0xFFFF  }
0x10a: {  	_ =	shalt  }

// kernel: sparse-core-data-format-call.cloned.1.call-start
scs
called_computation_lowered:
.L_overlay_start_0:
0x0: {  	s2 =	sld [smem:$0x3FD9]  }
0x1: {  	s3 =	sld [smem:$0x3FFE];
	_ =	sdelay $0x1  }
0x2: {  	s1 =	srdreg.scid  }
0x3: {  	s0 =	sand.u32 $0x1, s1  }
0x4: {  	s18 =	sshll.u32 s0, $0xA;
	s2 =	sadd.s32 s3, s2  }
0x5: {  	s2 =	sadd.s32 s2, s18  }
0x6: {  	[smem:$0x3FC6] =	sst s2  }
0x7: {  	_ = 	snop  }
0x8: {  	s2 =	sld [smem:$0x3FD0];
	(tm) =	ssettm $0x1  }
0x9: {  	s19 =	sld [smem:$0x3FFB];
	_ =	sdelay $0x3  }
0xa: {  	_ =	strace s19  }
0xb: {  	s3 =	sld [smem:$0x3FFC];
	_ =	sdelay $0x3  }
0xc: {  	_ =	strace s3  }
0xd: {  	s3 =	sld [smem:$0x3FFD];
	_ =	sdelay $0x3  }
0xe: {  	_ =	strace s3  }
0xf: {  	_ =	strace $0x8FFFFFFF  }
0x10: {  	s20 =	sld [smem:$0x3FDB];
	_ =	sdelay $0x1  }
0x11: {  	s4 =	simm.s32 $_scs_section_size  }
0x12: {  	s5 =	simm.s32 $_size__tile_overlayer_lowered;
	s6 =	simm.s32 $_tile_overlayer_lowered  }
0x13: {  	s23 =	simm.s32 $0x1BFF;
	s22 =	sshll.u32 s6, $0x1;
	s3 =	sadd.s32 s4, s20  }
0x14: {  	s7 =	simm.s32 $0x0;
	s21 =	sshll.u32 s5, $0x1;
	s5 =	sadd.s32 s22, s3  }
0x15: {  	[timem:s7], [sflag:s23] =	dma.local [hbm:s5], s21  }
0x16: {  	_ =	swait.ge [sflag:s23], s21  }
0x17: {  	s4 =	ssub.s32 $0x0, s21;
	[sflag:s23] =	ssyncset.done $0x0  }
0x18: {  	[sflag:s23] =	ssyncadd.s32 s4;
	_ =	sdelay $0x1  }
0x19: {  	s24 =	simm.s32 $0x1B8B  }
0x1a: {  	_ =	swait.ge [sflag:s24], $0x1  }
0x1b: {  	[sflag:s24] =	ssyncset.done $0x0  }
0x1c: {  	s26 =	simm.s32 $0x1B8E;
	s25 =	sld [smem:$0x3FFE];
	[sflag:s24] =	ssyncadd.s32 $0xFFFFFFFF  }
0x1d: {  	s27 =	simm.s32 $execute0_lowered;
	[smem:$0x3FD2] =	sst s26  }
0x1e: {  	s5 =	sshll.u32 s27, $0x1;
	_ =	strace $0x80000049;
	[dreg:$0x1] =	wrdreg $0xFFFFFFFF  }
0x1f: {  	s28 =	simm.s32 $_size_execute0_lowered;
	s3 =	sadd.s32 s3, s5;
	[dreg:$0x0] =	wrdreg $0x0  }
0x20: {  	s5 =	sshll.u32 s28, $0x1;
	[dreg:$0x2] =	wrdreg s3  }
0x21: {  	[dreg:$0x3] =	wrdreg s5  }
0x22: {  	[dreg:$0x4] =	wrdreg $0xC0  }
0x23: {  	_ =	task [dreg:s7], $0x5FFFF  }
0x24: {  	[dreg:$0x1] =	wrdreg $0xFFFFFFFF  }
0x25: {  	[dreg:$0x0] =	wrdreg $0x60  }
0x26: {  	[dreg:$0x2] =	wrdreg s25  }
0x27: {  	[dreg:$0x3] =	wrdreg s2  }
0x28: {  	[dreg:$0x4] =	wrdreg $0x9  }
0x29: {  	_ =	task.clear_ibuf [dreg:s7], $0x5FFFF;
	_ =	strace $0x90000049  }
0x2a: {  	s29 =	simm.s32 $0x9;
	_ =	strace $0x8000004B  }
0x2b: {  	_ =	swait.ge [sflag:s29], $0x1  }
0x2c: {  	[sflag:s29] =	ssyncadd.s32 $0xFFFFFFFF  }
0x2d: {  	_ =	strace $0x9000004B  }
0x2e: {  	_ =	sfence  }
0x2f: {  	s30 =	sld [smem:$0x0];
	_ =	sdelay $0x2  }
0x30: {  	s31 =	sshll.u32 s1, $0xD;
	s1 =	sshrl.u32 s1, $0x2  }
0x31: {  	s3 =	sand.u32 $0x4000, s31;
	s1 =	sadd.s32 s1, s30  }
0x32: {  	s0 =	sor.u32 s3, s0;
	s1 =	sshll.u32 s1, $0x11  }
0x33: {  	s0 =	sor.u32 s1, s0  }
0x34: {  	s0 =	sadd.s32 $0x8F2B, s0  }
0x35: {  	[sflag:s0] =	ssyncadd.remote.s32 $0x1  }
0x36: {  	_ =	sfence.sel $0xFFFF  }
0x37: {  	[dreg:$0x0] =	wrdreg $0xFFFFFFFF;
	(pc) =	sbr.abs _section_cstart, $3  }
0x38: {  	[dreg:$0x1] =	wrdreg $0xFFFFFFFF  }
0x39: {  	_ =	task.clear_ibuf [dreg:s7], $0x2FFFF;
	_ =	strace $0x9FFFFFFF  }
0x3a: {  	(tm) =	ssettm $0x7FFFFFFF  }
0x3b: {  	_ =	shalt  }
tec
execute0_lowered:
.L_overlay_start_1:
0x0: {  	(tag) =	ssettag $0x1  }
0x1: {  	s0 =	srdreg.scid  }
0x2: {  	s1 =	sshll.u32 s0, $0x4  }
0x3: {  	s0 =	stileid.u32;
	s1 =	sand.u32 $0x10, s1  }
0x4: {  	s1 =	sor.u32 s0, s1  }
0x5: {  	s6 =	rddreg [dreg:$0x0];
	s4 =	simm.s32 $0x1;
	s2 =	sshll.u32 s1, $0x7  }
0x6: {  	s7 =	simm.s32 $0x2;
	s12 =	simm.s32 $0x0;
	s1 =	ssub.s32 $0x1000, s2  }
0x7: {  	s8 =	simm.s32 $0x8000;
	s13 =	simm.s32 $0x0;
	s3 =	sand.u32 $0xF80, s1  }
0x8: {  	s9 =	simm.s32 $0x0;
	s5 =	sshrl.u32 s1, $0xC;
	p0 =	sne.s32 s3, $0x0  }
.Ltmp0:
0x9: {  	s1 =	rddreg [dreg:$0x2];
	s4 =	simm.s32 @!p0 $0x0;
	(pc) =	sbr.rel .LBB1_1-.Ltmp0, $4  }
0xa: {  	s11 =	simm.s32 $0x0;
	s3 =	rddreg [dreg:$0x1];
	s5 =	sadd.s32 s4, s5  }
0xb: {  	_ =	strace $0x8000004A;
	s4 =	simm.s32 $0x1;
	s5 =	smul.u32 $0xC8, s5  }
0xc: {  	s6 =	sadd.s32 $0x800, s6;
	s10 =	smov.u32 s2;
	[sflag:s4] =	ssyncpa.u1 $0x0  }
0xd: {  	p0 =	por $0x0, $0x0;
	[sflag:s7] =	ssyncpa.u1 $0x0;
	s7 =	sor.u32 $0x1, s5  }
.LBB1_4:
0xe: {  	s16 =	sshll.u32 s13, $0x3;
	s17 =	sand.u32 $0x78, s13  }
0xf: {  	s30 =	sand.u32 $0x3E00, s13;
	s12 =	sshll.u32 s12, $0xE;
	s16 =	sand.u32 $0xC00, s16  }
0x10: {  	s31 =	sand.u32 $0x7, s13;
	s16 =	sor.u32 s17, s16;
	s17 =	sadd.s32 s3, s30  }
0x11: {  	s13 =	sshll.u32 s31, $0x12;
	s16 =	sshrl.u32 s16, $0x3;
	s12 =	sadd.s32 s12, s17  }
0x12: {  	[tilespmem:s15+$0x0 ss:$0x81] =	vst.msk $0xffff, v0;
	s13 =	sor.u32 $0x400, s13;
	s12 =	sadd.s32 s16, s12  }
0x13: {  	[hbm4b:s12+s13] =	stream.strided.scatter [tilespmem:s14], [sflag:$0x2], $0x1000, s8, s13, $0x20;
	[tilespmem:$0x4040] =	vst v63  }
.LBB1_5:
0x14: {  	s14 =	sadd.s32 $0x1, s9  }
0x15: {  	s12 =	sadd.s32 $0x1000, s10;
	s16 =	smov.u32 s10;
	p2 =	sgt.s32 s14, $0xC7  }
0x16: {  	s16 =	smov.u32 @p2 s12  }
0x17: {  	s14 =	simm.s32 @p2 $0x0;
	p2 =	sgt.s32 s16, $0xFFF  }
0x18: {  	s16 =	smov.u32 @p2 s2;
	p2 =	sne.s32 s11, s7  }
.Ltmp1:
0x19: {  	p1 =	slt.u32 s11, $0x2;
	(pc) =	sbr.rel @!p2 .LBB1_6-.Ltmp1, $4  }
0x1a: {  	s15 =	simm.s32 @!p1 $0x2  }
0x1b: {  	s13 =	smov.u32 s10;
	p0 =	por !p0, !p0;
	_ =	swait.ge @!p1 [sflag:s15], $0x1000  }
0x1c: {  	s12 =	smov.u32 s9;
	[sflag:s15] =	ssyncset.done @!p1 $0x0;
	s9 =	smov.u32 s14  }
0x1d: {  	s11 =	sadd.s32 $0x1, s11;
	[sflag:s15] =	ssyncadd.s32 @!p1 $0xFFFFF000;
	s10 =	smov.u32 s16  }
.LBB1_1:
0x1e: {  	p1 =	sge.u32 s11, s5  }
0x1f: {  	s14 =	sand.u32 @!p1 $0x1FFFFFF, s9  }
0x20: {  	s15 =	smulhi.u32 @!p1 $0x147AE15, s14;
	_ =	sdelay $0x1  }
0x21: {  	s15 =	smul.u32 @!p1 $0xC8, s15  }
0x22: {  	s16 =	sxor.u32 @!p1 $0xFFFFFFFF, s11;
	s17 =	smul.u32 @!p1 $0xC80, s10  }
0x23: {  	s31 =	sadd.s32 $0xFFFFFFFF, s11;
	s16 =	sshll.u32 @!p1 s16, $0xC;
	s14 =	ssub.s32 @!p1 s14, s15  }
0x24: {  	s15 =	sand.u32 @!p1 $0x1000, s16;
	s16 =	sadd.s32 @!p1 s6, s17;
	s14 =	sshll.u32 @!p1 s14, $0x4  }
0x25: {  	s17 =	simm.s32 @!p1 $0x6400;
	s14 =	sadd.s32 @!p1 s14, s16;
	s16 =	simm.s32 @!p1 $0x20  }
0x26: {  	[tilespmem:s15], [sflag:$0x1] =	stream.strided.gather @!p1 [hbm4b:s14+s16], $0x1000, s17, s16, $0x38;
	[tilespmem:$0x4040] =	vst v63  }
0x27: {  	p1 =	sge.u32 s31, s5  }
.Ltmp2:
0x28: {  	_ = 	snop;
	(pc) =	sbr.rel @p1 .LBB1_5-.Ltmp2, $1  }
0x29: {  	_ =	sdelay $0x3  }
0x2a: {  	s14 =	simm.s32 $0x1  }
0x2b: {  	_ =	swait.ge [sflag:s4], $0x1000;
	s14 =	simm.s32 @!p0 $0x0  }
0x2c: {  	[sflag:s4] =	ssyncset.done $0x0;
	s15 =	sshll.u32 s14, $0xC  }
0x2d: {  	[sflag:s4] =	ssyncadd.s32 $0xFFFFF000;
	s18 =	sor.u32 $0x10, s15  }
0x2e: {  	s14 =	smul.u32 $0x4080, s14;
	v1 =	vld [tilespmem:s18+$0x0]  }
0x2f: {  	s30 =	sand.u32 $0x1, s11;
	v0 =	vld [tilespmem:s18+$0xFFFFFFF0]  }
0x30: {  	s15 =	smul.u32 $0x4080, s30;
	s14 =	sshrl.u32 s14, $0x2  }
0x31: {  	s16 =	sor.u32 $0x2000, s14  }
0x32: {  	s31 =	sshrl.u32 s15, $0x2;
	s15 =	sadd.s32 $0x0, s16  }
0x33: {  	s17 =	simm.s32 $0x4;
	s18 =	sadd.s32 $0x20, s18;
	s14 =	sor.u32 $0x2000, s31;
	[tilespmem:s15+$0x810 ss:$0x81] =	vst.msk $0xffff, v1  }
.LBB1_3:
0x34: {  	v1 =	vld [tilespmem:s18+$0x0];
	p1 =	sne.s32 s17, $0x1FC;
	[tilespmem:s15+$0x0 ss:$0x81] =	vst.msk $0xffff, v0;
	s15 =	smov.u32 s17;
	s17 =	sadd.s32 $0x4, s17  }
.Ltmp3:
0x35: {  	v0 =	vld [tilespmem:s18+$0xFFFFFFF0];
	(pc) =	sbr.rel @p1 .LBB1_3-.Ltmp3, $4  }
0x36: {  	_ = 	snop  }
0x37: {  	s15 =	sshra.s32 s15, $0x2  }
0x38: {  	s15 =	sadd.s32 s15, s16  }
0x39: {  	s18 =	sadd.s32 $0x20, s18;
	[tilespmem:s15+$0x810 ss:$0x81] =	vst.msk $0xffff, v1  }
.Ltmp4:
0x3a: {  	_ = 	snop;
	(pc) =	sbr.rel .LBB1_4-.Ltmp4, $1  }
0x3b: {  	_ =	sdelay $0x3  }
.LBB1_6:
0x3c: {  	_ =	sfence.sel $0x180000  }
0x3d: {  	s2 =	simm.s32 $0x1;
	[bflag:$0x0] =	sbarrier.arrive $0xFFFF  }
0x3e: {  	s31 =	simm.s32 $0x2;
	[sflag:s2] =	ssyncpa.u1 $0x1  }
0x3f: {  	[sflag:s31] =	ssyncpa.u1 $0x1  }
0x40: {  	p0 =	sne.s32 s0, $0x0;
	_ =	strace $0x9000004A  }
0x41: {  	s0 =	sadd.s32 @!p0 $0x100000, s1;
	[bflag:$0x2] =	sbarrier.arrive $0xFFFF  }
0x42: {  	[sflag:s0] =	ssyncadd.tile.s32 @!p0 $0x1;
	_ =	shalt  }
.Lfunc_end1:
_tile_overlayer_lowered:
.L_overlay_start_2:
0x43: {  	(tag) =	ssettag $0x2  }
0x44: {  	s0 =	rddreg [dreg:$0x0];
	s2 =	stileid.u32  }
0x45: {  	s1 =	rddreg [dreg:$0x1];
	p0 =	sne.s32 s2, $0x0  }
0x46: {  	s3 =	rddreg [dreg:$0x2];
	[bflag:$0x3] =	sbarrier.arrive $0xFFFF;
	s2 =	simm.s32 @!p0 $0x1C01  }
0x47: {  	[timem:s3], [sflag:s2] =	dma.local @!p0 [hbm:s0], s1  }
0x48: {  	s0 =	simm.s32 @!p0 $0x1  }
0x49: {  	_ =	swait.ge @!p0 [sflag:s0], s1  }
0x4a: {  	s1 =	ssub.s32 @!p0 $0x0, s1;
	[sflag:s0] =	ssyncset.done @!p0 $0x0  }
0x4b: {  	[sflag:s0] =	ssyncadd.s32 @!p0 s1  }
0x4c: {  	[bflag:$0x3] =	sbarrier.arrive $0xFFFF  }
0x4d: {  	_ =	shalt  }

</sc_bundles>
